<compile_context>
chip_gen: v7x
topology: tpu7x:2x2x1
jax: 0.10.2.dev20260603
libtpu: 0.0.44.dev20260713+nightly
codegen_flags: <defaults>
</compile_context>

<pallas_src>
import functools

import jax
import jax.numpy as jnp
from jax.experimental import pallas as pl
from jax.experimental.pallas import tpu as pltpu

B = 8
N = 2048
K = 40
EMB = 1024
SEG = 50

_NEG = -3e38
_BIGI = 2 ** 30




def _topk_kernel(pd_in_ref, idx_ref, pd_ref, *, k, n, tile):
    pd_ref[...] = pd_in_ref[0]
    lane = jax.lax.broadcasted_iota(jnp.int32, (tile, n), 1)
    klane = jax.lax.broadcasted_iota(jnp.int32, (tile, k), 1)

    def body(kk, idxbuf):
        pd = pd_ref[...]
        m = jnp.max(pd, axis=1, keepdims=True)
        j = jnp.min(jnp.where(pd == m, lane, _BIGI), axis=1, keepdims=True)
        idxbuf = jnp.where(klane == kk, j, idxbuf)
        pd_ref[...] = jnp.where(lane == j, _NEG, pd)
        return idxbuf

    idxbuf = jnp.zeros((tile, k), jnp.int32)
    idx_ref[0] = jax.lax.fori_loop(0, k, body, idxbuf)


def _topk_rows(pd, k):
    b, n, m = pd.shape
    tile = min(n, 256)
    grid = (b, n // tile)
    return pl.pallas_call(
        functools.partial(_topk_kernel, k=k, n=m, tile=tile),
        grid=grid,
        in_specs=[pl.BlockSpec((1, tile, m), lambda bi, ti: (bi, ti, 0))],
        out_specs=pl.BlockSpec((1, tile, k), lambda bi, ti: (bi, ti, 0)),
        out_shape=jax.ShapeDtypeStruct((b, n, k), jnp.int32),
        scratch_shapes=[pltpu.VMEM((tile, m), jnp.float32)],
    )(pd)


def _knn(x, k):
    inner = -2.0 * jnp.einsum('bcn,bcm->bnm', x, x)
    xx = jnp.sum(x * x, axis=1, keepdims=True)
    pd = -xx - inner - jnp.transpose(xx, (0, 2, 1))
    return _topk_rows(pd, k)


def _graph_feature(x, k):
    b, c, n = x.shape
    idx = _knn(x, k)
    xt = jnp.transpose(x, (0, 2, 1))
    bidx = jnp.arange(b)[:, None, None]
    feature = xt[bidx, idx]
    xc = jnp.broadcast_to(xt[:, :, None, :], (b, n, k, c))
    out = jnp.concatenate([feature - xc, xc], axis=3)
    return jnp.transpose(out, (0, 3, 1, 2))




def _pool_kernel(sc_ref, feat_ref, xyz_ref, node_ref, fnew_ref, *, n, p, nb):
    scores = sc_ref[...]
    lane = jax.lax.broadcasted_iota(jnp.int32, (nb, n), 1)
    plane = jax.lax.broadcasted_iota(jnp.int32, (nb, p), 1)

    def body(kk, carry):
        s, idxb, valb = carry
        m = jnp.max(s, axis=1, keepdims=True)
        j = jnp.min(jnp.where(s == m, lane, _BIGI), axis=1, keepdims=True)
        idxb = jnp.where(plane == kk, j, idxb)
        valb = jnp.where(plane == kk, m, valb)
        s = jnp.where(lane == j, _NEG, s)
        return s, idxb, valb

    _, idxb, valb = jax.lax.fori_loop(
        0, p, body,
        (scores, jnp.zeros((nb, p), jnp.int32), jnp.zeros((nb, p), jnp.float32)),
    )

    riota = jax.lax.broadcasted_iota(jnp.int32, (n, p), 0)
    for bi in range(nb):
        sel = jnp.where(riota == idxb[bi][None, :], 1.0, 0.0)
        fg = jnp.dot(feat_ref[bi], sel, preferred_element_type=jnp.float32,
                     precision=jax.lax.Precision.HIGHEST)
        fnew_ref[bi] = fg * valb[bi][None, :]
        node_ref[bi] = jnp.dot(xyz_ref[bi], sel,
                               preferred_element_type=jnp.float32,
                     precision=jax.lax.Precision.HIGHEST)


def _pool_pallas(xyz8, feature, wp, p):
    b, c, n = feature.shape
    scores = jax.nn.sigmoid(jnp.einsum('oc,bcn->bon', wp, feature))[:, 0, :]
    node8, fnew = pl.pallas_call(
        functools.partial(_pool_kernel, n=n, p=p, nb=b),
        in_specs=[
            pl.BlockSpec((b, n), lambda: (0, 0)),
            pl.BlockSpec((b, c, n), lambda: (0, 0, 0)),
            pl.BlockSpec((b, 8, n), lambda: (0, 0, 0)),
        ],
        out_specs=[
            pl.BlockSpec((b, 8, p), lambda: (0, 0, 0)),
            pl.BlockSpec((b, c, p), lambda: (0, 0, 0)),
        ],
        out_shape=[
            jax.ShapeDtypeStruct((b, 8, p), jnp.float32),
            jax.ShapeDtypeStruct((b, c, p), jnp.float32),
        ],
    )(scores, feature, xyz8)
    return node8, fnew




def _unpool_kernel(neg_ref, featT_ref, out_ref, *, m, tile):
    neg = neg_ref[0]
    lane = jax.lax.broadcasted_iota(jnp.int32, (tile, m), 1)

    ms, js = [], []
    for _ in range(3):
        mv = jnp.max(neg, axis=1, keepdims=True)
        jv = jnp.min(jnp.where(neg == mv, lane, _BIGI), axis=1, keepdims=True)
        ms.append(mv)
        js.append(jv)
        neg = jnp.where(lane == jv, _NEG, neg)

    mx = -ms[2]
    es = [jnp.exp(-mv - mx) for mv in ms]
    tot = (es[0] + es[1]) + es[2]
    sel = jnp.zeros((tile, m), jnp.float32)
    for t in range(3):
        sel = sel + jnp.where(lane == js[t], es[t] / tot, 0.0)
    out_ref[0] = jnp.dot(sel, featT_ref[0], preferred_element_type=jnp.float32,
                     precision=jax.lax.Precision.HIGHEST)


def _unpool(xyz, unknown_xyz, features):
    b, _, m = xyz.shape
    n = unknown_xyz.shape[2]
    c = features.shape[1]
    diff = unknown_xyz[:, :, :, None] - xyz[:, :, None, :]
    neg = -jnp.sum(diff * diff, axis=1)
    featT = jnp.transpose(features, (0, 2, 1))
    tile = min(n, 256)
    grid = (b, n // tile)
    outT = pl.pallas_call(
        functools.partial(_unpool_kernel, m=m, tile=tile),
        grid=grid,
        in_specs=[
            pl.BlockSpec((1, tile, m), lambda bi, ti: (bi, ti, 0)),
            pl.BlockSpec((1, m, c), lambda bi, ti: (bi, 0, 0)),
        ],
        out_specs=pl.BlockSpec((1, tile, c), lambda bi, ti: (bi, ti, 0)),
        out_shape=jax.ShapeDtypeStruct((b, n, c), jnp.float32),
    )(neg, featT)
    return jnp.transpose(outT, (0, 2, 1))




def _bn(y, g, b):
    axes = (0,) + tuple(range(2, y.ndim))
    mean = jnp.mean(y, axis=axes, keepdims=True)
    var = jnp.var(y, axis=axes, keepdims=True)
    yn = (y - mean) / jnp.sqrt(var + 1e-5)
    shape = [1, -1] + [1] * (y.ndim - 2)
    return yn * g.reshape(shape) + b.reshape(shape)


def _lrelu(y):
    return jnp.where(y >= 0, y, 0.2 * y)


def _conv2(y, W, g, b):
    return _lrelu(_bn(jnp.einsum('oc,bcnk->bonk', W, y), g, b))


def _conv1(y, W, g, b):
    return _lrelu(_bn(jnp.einsum('oc,bcn->bon', W, y), g, b))


def kernel(x, l, params):
    p = params
    xyz = x
    xyz8 = jnp.pad(xyz, ((0, 0), (0, 5), (0, 0)))

    y = _graph_feature(x, K)
    y = _conv2(y, p['conv1'], p['bn1_g'], p['bn1_b'])
    y = _conv2(y, p['conv2'], p['bn2_g'], p['bn2_b'])
    x1 = jnp.max(y, axis=-1)

    node1_8, nf1 = _pool_pallas(xyz8, x1, p['pool1'], N // 4)
    node1 = node1_8[:, :3, :]

    y = _graph_feature(nf1, K // 2)
    y = _conv2(y, p['conv3'], p['bn3_g'], p['bn3_b'])
    y = _conv2(y, p['conv4'], p['bn4_g'], p['bn4_b'])
    x2 = jnp.max(y, axis=-1)

    node2_8, nf2 = _pool_pallas(node1_8, x2, p['pool2'], N // 16)
    node2 = node2_8[:, :3, :]

    y = _graph_feature(nf2, K // 4)
    y = _conv2(y, p['conv5'], p['bn5_g'], p['bn5_b'])
    x3 = jnp.max(y, axis=-1)

    node3_8, nf3 = _pool_pallas(node2_8, x3, p['pool3'], N // 64)
    node3 = node3_8[:, :3, :]

    y = _graph_feature(nf3, K // 8)
    y = _conv2(y, p['conv6'], p['bn6_g'], p['bn6_b'])
    x4 = jnp.max(y, axis=-1)

    x1_t = jnp.max(x1, axis=-1, keepdims=True)
    x2_t = jnp.max(x2, axis=-1, keepdims=True)
    x3_t = jnp.max(x3, axis=-1, keepdims=True)
    x4_t = jnp.max(x4, axis=-1, keepdims=True)
    y = jnp.concatenate([x1_t, x2_t, x3_t, x4_t], axis=1)
    y = _conv1(y, p['conv6_m'], p['bn6_m_g'], p['bn6_m_b'])
    lv = l.reshape(l.shape[0], -1, 1)
    lv = _conv1(lv, p['conv7'], p['bn7_g'], p['bn7_b'])
    y = jnp.concatenate([y, lv], axis=1)
    y = _conv1(y, p['conv8'], p['bn8_g'], p['bn8_b'])
    y = jnp.tile(y, (1, 1, x4.shape[-1]))
    y = jnp.concatenate([y, x4], axis=1)
    y = _conv1(y, p['conv9'], p['bn9_g'], p['bn9_b'])

    node1s = node1_8[:, :3, :]
    node2s = node2_8[:, :3, :]
    node3s = node3_8[:, :3, :]
    y = _unpool(node3s, node2s, y)
    y = jnp.concatenate([y, x3], axis=1)
    y = _conv1(y, p['conv10'], p['bn10_g'], p['bn10_b'])

    y = _unpool(node2s, node1s, y)
    y = jnp.concatenate([y, x2], axis=1)
    y = _conv1(y, p['conv11'], p['bn11_g'], p['bn11_b'])

    y = _unpool(node1s, xyz, y)
    y = jnp.concatenate([y, x1], axis=1)
    y = _conv1(y, p['conv12'], p['bn12_g'], p['bn12_b'])
    y = jnp.einsum('oc,bcn->bon', p['conv13'], y)
    return (y, node1, node2, node3, node1, node2)

# --- scband reference (transcript-rebuilt; emitter-appended) ---
"""Pipeline reference for scband-dgcnn-partseg-5806795784776 (READ-ONLY COPY).

The authoritative reference and input builder live on the scoring server;
editing this copy changes nothing except your own understanding.
"""

import jax, jax.numpy as jnp
import numpy as np

B = 8
N = 2048
K = 40
EMB = 1024
SEG = 50

def _init_w(key, shape):
    return jax.random.normal(key, shape, dtype=jnp.float32) / np.sqrt(shape[1])

def setup_inputs(seed: int = 0):
    key = jax.random.key(seed)
    ks = jax.random.split(key, 24)
    x = jax.random.normal(ks[0], (B, 3, N), dtype=jnp.float32)
    l = jax.random.uniform(ks[1], (B, 16), dtype=jnp.float32)
    params = {
        'conv1': _init_w(ks[2], (64, 6)),
        'conv2': _init_w(ks[3], (64, 64)),
        'conv3': _init_w(ks[4], (64, 128)),
        'conv4': _init_w(ks[5], (64, 64)),
        'conv5': _init_w(ks[6], (64, 128)),
        'conv6': _init_w(ks[7], (64, 128)),
        'conv6_m': _init_w(ks[8], (EMB, 256)),
        'conv7': _init_w(ks[9], (64, 16)),
        'conv8': _init_w(ks[10], (256, EMB + 64)),
        'conv9': _init_w(ks[11], (256, 256 + 64)),
        'conv10': _init_w(ks[12], (256, 256 + 64)),
        'conv11': _init_w(ks[13], (256, 256 + 64)),
        'conv12': _init_w(ks[14], (128, 256 + 64)),
        'conv13': _init_w(ks[15], (SEG, 128)),
        'pool1': _init_w(ks[16], (1, 64)),
        'pool2': _init_w(ks[17], (1, 64)),
        'pool3': _init_w(ks[18], (1, 64)),
    }
    for name, c in [('bn1', 64), ('bn2', 64), ('bn3', 64), ('bn4', 64), ('bn5', 64), ('bn6', 64), ('bn6_m', EMB), ('bn7', 64), ('bn8', 256), ('bn9', 256), ('bn10', 256), ('bn11', 256), ('bn12', 128)]:
        params[name + '_g'] = jnp.ones((c,), dtype=jnp.float32)
        params[name + '_b'] = jnp.zeros((c,), dtype=jnp.float32)
    return {'x': x, 'l': l, 'params': params}

def _bn(y, g, b):
    axes = (0,) + tuple(range(2, y.ndim))
    mean = jnp.mean(y, axis=axes, keepdims=True)
    var = jnp.var(y, axis=axes, keepdims=True)
    yn = (y - mean) / jnp.sqrt(var + 1e-5)
    shape = [1, -1] + [1] * (y.ndim - 2)
    return yn * g.reshape(shape) + b.reshape(shape)

def _lrelu(y):
    return jnp.where(y >= 0, y, 0.2 * y)

def _conv2(y, W, g, b):
    return _lrelu(_bn(jnp.einsum('oc,bcnk->bonk', W, y), g, b))

def _conv1(y, W, g, b):
    return _lrelu(_bn(jnp.einsum('oc,bcn->bon', W, y), g, b))

def _knn(x, k):
    inner = -2.0 * jnp.einsum('bcn,bcm->bnm', x, x)
    xx = jnp.sum(x * x, axis=1, keepdims=True)
    pd = -xx - inner - jnp.transpose(xx, (0, 2, 1))
    return jax.lax.top_k(pd, k)[1]

def _graph_feature(x, k):
    b, c, n = x.shape
    idx = _knn(x, k)
    xt = jnp.transpose(x, (0, 2, 1))
    bidx = jnp.arange(b)[:, None, None]
    feature = xt[bidx, idx]
    xc = jnp.broadcast_to(xt[:, :, None, :], (b, n, k, c))
    out = jnp.concatenate([feature - xc, xc], axis=3)
    return jnp.transpose(out, (0, 3, 1, 2))

def _pool(xyz, feature, Wp, npts):
    b = feature.shape[0]
    scores = jax.nn.sigmoid(jnp.einsum('oc,bcn->bon', Wp, feature))[:, 0, :]
    vals, idx = jax.lax.top_k(scores, npts)
    bidx = jnp.arange(b)[:, None]
    xyz_new = jnp.transpose(jnp.transpose(xyz, (0, 2, 1))[bidx, idx], (0, 2, 1))
    feat_new = jnp.transpose(jnp.transpose(feature, (0, 2, 1))[bidx, idx], (0, 2, 1))
    feat_new = feat_new * vals[:, None, :]
    return xyz_new, feat_new, jax.lax.stop_gradient(xyz_new)

def _unpool(xyz, unknown_xyz, features):
    b = xyz.shape[0]
    diff = unknown_xyz[:, :, :, None] - xyz[:, :, None, :]
    diff_norm = jnp.sum(diff * diff, axis=1)
    neg_dist, nn_idx = jax.lax.top_k(-diff_norm, 3)
    weight = jax.nn.softmax(-neg_dist, axis=-1)
    featT = jnp.transpose(features, (0, 2, 1))
    bidx = jnp.arange(b)[:, None, None]
    grouped = featT[bidx, nn_idx]
    out = jnp.sum(weight[..., None] * grouped, axis=2)
    return jnp.transpose(out, (0, 2, 1))

def _forward(x, l, p):
    xyz = x
    y = _graph_feature(x, K)
    y = _conv2(y, p['conv1'], p['bn1_g'], p['bn1_b'])
    y = _conv2(y, p['conv2'], p['bn2_g'], p['bn2_b'])
    x1 = jnp.max(y, axis=-1)
    node1, nf1, node1_s = _pool(xyz, x1, p['pool1'], N // 4)
    y = _graph_feature(nf1, K // 2)
    y = _conv2(y, p['conv3'], p['bn3_g'], p['bn3_b'])
    y = _conv2(y, p['conv4'], p['bn4_g'], p['bn4_b'])
    x2 = jnp.max(y, axis=-1)
    node2, nf2, node2_s = _pool(node1_s, x2, p['pool2'], N // 16)
    y = _graph_feature(nf2, K // 4)
    y = _conv2(y, p['conv5'], p['bn5_g'], p['bn5_b'])
    x3 = jnp.max(y, axis=-1)
    node3, nf3, node3_s = _pool(node2_s, x3, p['pool3'], N // 64)
    y = _graph_feature(nf3, K // 8)
    y = _conv2(y, p['conv6'], p['bn6_g'], p['bn6_b'])
    x4 = jnp.max(y, axis=-1)
    x1_t = jnp.max(x1, axis=-1, keepdims=True)
    x2_t = jnp.max(x2, axis=-1, keepdims=True)
    x3_t = jnp.max(x3, axis=-1, keepdims=True)
    x4_t = jnp.max(x4, axis=-1, keepdims=True)
    y = jnp.concatenate([x1_t, x2_t, x3_t, x4_t], axis=1)
    y = _conv1(y, p['conv6_m'], p['bn6_m_g'], p['bn6_m_b'])
    lv = l.reshape(l.shape[0], -1, 1)
    lv = _conv1(lv, p['conv7'], p['bn7_g'], p['bn7_b'])
    y = jnp.concatenate([y, lv], axis=1)
    y = _conv1(y, p['conv8'], p['bn8_g'], p['bn8_b'])
    y = jnp.tile(y, (1, 1, x4.shape[-1]))
    y = jnp.concatenate([y, x4], axis=1)
    y = _conv1(y, p['conv9'], p['bn9_g'], p['bn9_b'])
    y = _unpool(node3_s, node2_s, y)
    y = jnp.concatenate([y, x3], axis=1)
    y = _conv1(y, p['conv10'], p['bn10_g'], p['bn10_b'])
    y = _unpool(node2_s, node1_s, y)
    y = jnp.concatenate([y, x2], axis=1)
    y = _conv1(y, p['conv11'], p['bn11_g'], p['bn11_b'])
    y = _unpool(node1_s, xyz, y)
    y = jnp.concatenate([y, x1], axis=1)
    y = _conv1(y, p['conv12'], p['bn12_g'], p['bn12_b'])
    y = jnp.einsum('oc,bcn->bon', p['conv13'], y)
    return (y, node1, node2, node3, node1_s, node2_s)

def reference(x, l, params):
    return _forward(x, l, params)

if __name__ == "__main__":
    import jax
    _d = setup_inputs()
    print(jax.jit(kernel)(*tuple(_d.values())))

</pallas_src>

<mosaic_0001>
module attributes {stable_mosaic.version = 14 : i64} {
  func.func @_pool_kernel(%arg0: memref<8x2048xf32, #tpu.memory_space<vmem>>, %arg1: memref<8x64x2048xf32, #tpu.memory_space<vmem>>, %arg2: memref<8x8x2048xf32, #tpu.memory_space<vmem>>, %arg3: memref<8x8x512xf32, #tpu.memory_space<vmem>>, %arg4: memref<8x64x512xf32, #tpu.memory_space<vmem>>) attributes {dimension_semantics = [], scalar_prefetch = 0 : i64, scratch_operands = 0 : i64, tpu.core_type = #tpu.core_type<tc>} {
    %get3A = arith.constant 0 : index
    %get3A_0 = arith.constant 0 : index
    %get3A_1 = vector.load %arg0[%get3A, %get3A_0] : memref<8x2048xf32, #tpu.memory_space<vmem>>, vector<8x2048xf32>
    %iota3A = tpu.iota {dimensions = array<i32: 1>} : vector<8x2048xi32>
    %iota3A_2 = tpu.iota {dimensions = array<i32: 1>} : vector<8x512xi32>
    %broadcast_in_dim3A = arith.constant 0 : i32
    %broadcast_in_dim3A_3 = vector.broadcast %broadcast_in_dim3A : i32 to vector<8x512xi32>
    %broadcast_in_dim3A_4 = arith.constant 0.000000e+00 : f32
    %broadcast_in_dim3A_5 = vector.broadcast %broadcast_in_dim3A_4 : f32 to vector<8x512xf32>
    %scan3A = arith.constant 0 : i32
    %scan3A_6 = arith.constant 512 : i32
    %scan3A_7 = arith.addi %scan3A, %scan3A_6 : i32
    %scan3A_8 = arith.constant 1 : i32
    %scan3A_9:3 = scf.for %scan3A_332 = %scan3A to %scan3A_7 step %scan3A_8 iter_args(%scan3A_333 = %get3A_1, %scan3A_334 = %broadcast_in_dim3A_3, %scan3A_335 = %broadcast_in_dim3A_5) -> (vector<8x2048xf32>, vector<8x512xi32>, vector<8x512xf32>)  : i32 {
      %reduce_max3A = arith.constant dense<0xFF800000> : vector<8xf32>
      %reduce_max3A_336 = vector.multi_reduction <maximumf>, %scan3A_333, %reduce_max3A [1] : vector<8x2048xf32> to vector<8xf32>
      %broadcast_in_dim3A_337 = vector.shape_cast %reduce_max3A_336 : vector<8xf32> to vector<8x1xf32>
      %eq3A_338 = vector.broadcast %broadcast_in_dim3A_337 : vector<8x1xf32> to vector<8x2048xf32>
      %eq3A_339 = arith.cmpf oeq, %scan3A_333, %eq3A_338 : vector<8x2048xf32>
      %jit3A_340 = arith.constant 1073741824 : i32
      %broadcast_in_dim3A_341 = vector.broadcast %jit3A_340 : i32 to vector<8x2048xi32>
      %select_n3A_342 = arith.select %eq3A_339, %iota3A, %broadcast_in_dim3A_341 : vector<8x2048xi1>, vector<8x2048xi32>
      %reduce_min3A = arith.constant dense<2147483647> : vector<8xi32>
      %reduce_min3A_343 = vector.multi_reduction <minsi>, %select_n3A_342, %reduce_min3A [1] : vector<8x2048xi32> to vector<8xi32>
      %broadcast_in_dim3A_344 = vector.shape_cast %reduce_min3A_343 : vector<8xi32> to vector<8x1xi32>
      %eq3A_345 = vector.broadcast %scan3A_332 : i32 to vector<8x512xi32>
      %eq3A_346 = arith.cmpi eq, %iota3A_2, %eq3A_345 : vector<8x512xi32>
      %broadcast_in_dim3A_347 = vector.shape_cast %broadcast_in_dim3A_344 : vector<8x1xi32> to vector<8x1xi32>
      %broadcast_in_dim3A_348 = vector.broadcast %broadcast_in_dim3A_347 : vector<8x1xi32> to vector<8x512xi32>
      %select_n3A_349 = arith.select %eq3A_346, %broadcast_in_dim3A_348, %scan3A_334 : vector<8x512xi1>, vector<8x512xi32>
      %eq3A_350 = vector.broadcast %scan3A_332 : i32 to vector<8x512xi32>
      %eq3A_351 = arith.cmpi eq, %iota3A_2, %eq3A_350 : vector<8x512xi32>
      %broadcast_in_dim3A_352 = vector.shape_cast %broadcast_in_dim3A_337 : vector<8x1xf32> to vector<8x1xf32>
      %broadcast_in_dim3A_353 = vector.broadcast %broadcast_in_dim3A_352 : vector<8x1xf32> to vector<8x512xf32>
      %select_n3A_354 = arith.select %eq3A_351, %broadcast_in_dim3A_353, %scan3A_335 : vector<8x512xi1>, vector<8x512xf32>
      %eq3A_355 = vector.broadcast %broadcast_in_dim3A_344 : vector<8x1xi32> to vector<8x2048xi32>
      %eq3A_356 = arith.cmpi eq, %iota3A, %eq3A_355 : vector<8x2048xi32>
      %jit3A_357 = arith.constant -3.000000e+38 : f32
      %broadcast_in_dim3A_358 = vector.broadcast %jit3A_357 : f32 to vector<8x2048xf32>
      %select_n3A_359 = arith.select %eq3A_356, %broadcast_in_dim3A_358, %scan3A_333 : vector<8x2048xi1>, vector<8x2048xf32>
      scf.yield %select_n3A_359, %select_n3A_349, %select_n3A_354 : vector<8x2048xf32>, vector<8x512xi32>, vector<8x512xf32>
    }
    %scan3A_10 = arith.constant 512 : i32
    %iota3A_11 = tpu.iota {dimensions = array<i32: 0>} : vector<2048x512xi32>
    %slice3A = vector.extract_strided_slice %scan3A_9#1 {offsets = [0, 0], sizes = [1, 512], strides = [1, 1]} : vector<8x512xi32> to vector<1x512xi32>
    %squeeze3A = vector.shape_cast %slice3A : vector<1x512xi32> to vector<512xi32>
    %broadcast_in_dim3A_12 = vector.shape_cast %squeeze3A : vector<512xi32> to vector<1x512xi32>
    %eq3A = vector.broadcast %broadcast_in_dim3A_12 : vector<1x512xi32> to vector<2048x512xi32>
    %eq3A_13 = arith.cmpi eq, %iota3A_11, %eq3A : vector<2048x512xi32>
    %jit3A = arith.constant 1.000000e+00 : f32
    %jit3A_14 = arith.constant 0.000000e+00 : f32
    %broadcast_in_dim3A_15 = vector.broadcast %jit3A : f32 to vector<2048x512xf32>
    %broadcast_in_dim3A_16 = vector.broadcast %jit3A_14 : f32 to vector<2048x512xf32>
    %select_n3A = arith.select %eq3A_13, %broadcast_in_dim3A_15, %broadcast_in_dim3A_16 : vector<2048x512xi1>, vector<2048x512xf32>
    %get3A_17 = arith.constant 0 : index
    %get3A_18 = arith.constant 0 : index
    %get3A_19 = arith.constant 0 : index
    %get3A_20 = vector.load %arg1[%get3A_17, %get3A_18, %get3A_19] : memref<8x64x2048xf32, #tpu.memory_space<vmem>>, vector<1x64x2048xf32>
    %get3A_21 = vector.shape_cast %get3A_20 : vector<1x64x2048xf32> to vector<64x2048xf32>
    %dot_general3A = arith.constant dense<0.000000e+00> : vector<64x512xf32>
    %dot_general3A_22 = tpu.matmul %get3A_21, %select_n3A, %dot_general3A {dimension_numbers = #tpu.dot_dimension_numbers<[1], [0], [0], [1], [0, 0, 1, 1], [], []>, precision = #tpu.contract_precision<fp32>, transpose_lhs_hint = false} : vector<64x2048xf32>, vector<2048x512xf32>, vector<64x512xf32> -> vector<64x512xf32>
    %slice3A_23 = vector.extract_strided_slice %scan3A_9#2 {offsets = [0, 0], sizes = [1, 512], strides = [1, 1]} : vector<8x512xf32> to vector<1x512xf32>
    %squeeze3A_24 = vector.shape_cast %slice3A_23 : vector<1x512xf32> to vector<512xf32>
    %broadcast_in_dim3A_25 = vector.shape_cast %squeeze3A_24 : vector<512xf32> to vector<1x512xf32>
    %mul3A = vector.broadcast %broadcast_in_dim3A_25 : vector<1x512xf32> to vector<64x512xf32>
    %mul3A_26 = arith.mulf %dot_general3A_22, %mul3A : vector<64x512xf32>
    %swap3A = arith.constant 0 : index
    %swap3A_27 = arith.constant 0 : index
    %swap3A_28 = arith.constant 0 : index
    %swap3A_29 = vector.load %arg4[%swap3A, %swap3A_27, %swap3A_28] : memref<8x64x512xf32, #tpu.memory_space<vmem>>, vector<1x64x512xf32>
    %swap3A_30 = vector.shape_cast %swap3A_29 : vector<1x64x512xf32> to vector<64x512xf32>
    %swap3A_31 = vector.shape_cast %mul3A_26 : vector<64x512xf32> to vector<1x64x512xf32>
    tpu.vector_store %arg4[%swap3A, %swap3A_27, %swap3A_28], %swap3A_31 {strides = array<i32>} : memref<8x64x512xf32, #tpu.memory_space<vmem>>, vector<1x64x512xf32>,
    %get3A_32 = arith.constant 0 : index
    %get3A_33 = arith.constant 0 : index
    %get3A_34 = arith.constant 0 : index
    %get3A_35 = vector.load %arg2[%get3A_32, %get3A_33, %get3A_34] : memref<8x8x2048xf32, #tpu.memory_space<vmem>>, vector<1x8x2048xf32>
    %get3A_36 = vector.shape_cast %get3A_35 : vector<1x8x2048xf32> to vector<8x2048xf32>
    %dot_general3A_37 = arith.constant dense<0.000000e+00> : vector<8x512xf32>
    %dot_general3A_38 = tpu.matmul %get3A_36, %select_n3A, %dot_general3A_37 {dimension_numbers = #tpu.dot_dimension_numbers<[1], [0], [0], [1], [0, 0, 1, 1], [], []>, precision = #tpu.contract_precision<fp32>, transpose_lhs_hint = false} : vector<8x2048xf32>, vector<2048x512xf32>, vector<8x512xf32> -> vector<8x512xf32>
    %swap3A_39 = arith.constant 0 : index
    %swap3A_40 = arith.constant 0 : index
    %swap3A_41 = arith.constant 0 : index
    %swap3A_42 = vector.load %arg3[%swap3A_39, %swap3A_40, %swap3A_41] : memref<8x8x512xf32, #tpu.memory_space<vmem>>, vector<1x8x512xf32>
    %swap3A_43 = vector.shape_cast %swap3A_42 : vector<1x8x512xf32> to vector<8x512xf32>
    %swap3A_44 = vector.shape_cast %dot_general3A_38 : vector<8x512xf32> to vector<1x8x512xf32>
    tpu.vector_store %arg3[%swap3A_39, %swap3A_40, %swap3A_41], %swap3A_44 {strides = array<i32>} : memref<8x8x512xf32, #tpu.memory_space<vmem>>, vector<1x8x512xf32>,
    %slice3A_45 = vector.extract_strided_slice %scan3A_9#1 {offsets = [1, 0], sizes = [1, 512], strides = [1, 1]} : vector<8x512xi32> to vector<1x512xi32>
    %squeeze3A_46 = vector.shape_cast %slice3A_45 : vector<1x512xi32> to vector<512xi32>
    %broadcast_in_dim3A_47 = vector.shape_cast %squeeze3A_46 : vector<512xi32> to vector<1x512xi32>
    %eq3A_48 = vector.broadcast %broadcast_in_dim3A_47 : vector<1x512xi32> to vector<2048x512xi32>
    %eq3A_49 = arith.cmpi eq, %iota3A_11, %eq3A_48 : vector<2048x512xi32>
    %jit3A_50 = arith.constant 1.000000e+00 : f32
    %jit3A_51 = arith.constant 0.000000e+00 : f32
    %broadcast_in_dim3A_52 = vector.broadcast %jit3A_50 : f32 to vector<2048x512xf32>
    %broadcast_in_dim3A_53 = vector.broadcast %jit3A_51 : f32 to vector<2048x512xf32>
    %select_n3A_54 = arith.select %eq3A_49, %broadcast_in_dim3A_52, %broadcast_in_dim3A_53 : vector<2048x512xi1>, vector<2048x512xf32>
    %get3A_55 = arith.constant 1 : index
    %get3A_56 = arith.constant 0 : index
    %get3A_57 = arith.constant 0 : index
    %get3A_58 = vector.load %arg1[%get3A_55, %get3A_56, %get3A_57] : memref<8x64x2048xf32, #tpu.memory_space<vmem>>, vector<1x64x2048xf32>
    %get3A_59 = vector.shape_cast %get3A_58 : vector<1x64x2048xf32> to vector<64x2048xf32>
    %dot_general3A_60 = arith.constant dense<0.000000e+00> : vector<64x512xf32>
    %dot_general3A_61 = tpu.matmul %get3A_59, %select_n3A_54, %dot_general3A_60 {dimension_numbers = #tpu.dot_dimension_numbers<[1], [0], [0], [1], [0, 0, 1, 1], [], []>, precision = #tpu.contract_precision<fp32>, transpose_lhs_hint = false} : vector<64x2048xf32>, vector<2048x512xf32>, vector<64x512xf32> -> vector<64x512xf32>
    %slice3A_62 = vector.extract_strided_slice %scan3A_9#2 {offsets = [1, 0], sizes = [1, 512], strides = [1, 1]} : vector<8x512xf32> to vector<1x512xf32>
    %squeeze3A_63 = vector.shape_cast %slice3A_62 : vector<1x512xf32> to vector<512xf32>
    %broadcast_in_dim3A_64 = vector.shape_cast %squeeze3A_63 : vector<512xf32> to vector<1x512xf32>
    %mul3A_65 = vector.broadcast %broadcast_in_dim3A_64 : vector<1x512xf32> to vector<64x512xf32>
    %mul3A_66 = arith.mulf %dot_general3A_61, %mul3A_65 : vector<64x512xf32>
    %swap3A_67 = arith.constant 1 : index
    %swap3A_68 = arith.constant 0 : index
    %swap3A_69 = arith.constant 0 : index
    %swap3A_70 = vector.load %arg4[%swap3A_67, %swap3A_68, %swap3A_69] : memref<8x64x512xf32, #tpu.memory_space<vmem>>, vector<1x64x512xf32>
    %swap3A_71 = vector.shape_cast %swap3A_70 : vector<1x64x512xf32> to vector<64x512xf32>
    %swap3A_72 = vector.shape_cast %mul3A_66 : vector<64x512xf32> to vector<1x64x512xf32>
    tpu.vector_store %arg4[%swap3A_67, %swap3A_68, %swap3A_69], %swap3A_72 {strides = array<i32>} : memref<8x64x512xf32, #tpu.memory_space<vmem>>, vector<1x64x512xf32>,
    %get3A_73 = arith.constant 1 : index
    %get3A_74 = arith.constant 0 : index
    %get3A_75 = arith.constant 0 : index
    %get3A_76 = vector.load %arg2[%get3A_73, %get3A_74, %get3A_75] : memref<8x8x2048xf32, #tpu.memory_space<vmem>>, vector<1x8x2048xf32>
    %get3A_77 = vector.shape_cast %get3A_76 : vector<1x8x2048xf32> to vector<8x2048xf32>
    %dot_general3A_78 = arith.constant dense<0.000000e+00> : vector<8x512xf32>
    %dot_general3A_79 = tpu.matmul %get3A_77, %select_n3A_54, %dot_general3A_78 {dimension_numbers = #tpu.dot_dimension_numbers<[1], [0], [0], [1], [0, 0, 1, 1], [], []>, precision = #tpu.contract_precision<fp32>, transpose_lhs_hint = false} : vector<8x2048xf32>, vector<2048x512xf32>, vector<8x512xf32> -> vector<8x512xf32>
    %swap3A_80 = arith.constant 1 : index
    %swap3A_81 = arith.constant 0 : index
    %swap3A_82 = arith.constant 0 : index
    %swap3A_83 = vector.load %arg3[%swap3A_80, %swap3A_81, %swap3A_82] : memref<8x8x512xf32, #tpu.memory_space<vmem>>, vector<1x8x512xf32>
    %swap3A_84 = vector.shape_cast %swap3A_83 : vector<1x8x512xf32> to vector<8x512xf32>
    %swap3A_85 = vector.shape_cast %dot_general3A_79 : vector<8x512xf32> to vector<1x8x512xf32>
    tpu.vector_store %arg3[%swap3A_80, %swap3A_81, %swap3A_82], %swap3A_85 {strides = array<i32>} : memref<8x8x512xf32, #tpu.memory_space<vmem>>, vector<1x8x512xf32>,
    %slice3A_86 = vector.extract_strided_slice %scan3A_9#1 {offsets = [2, 0], sizes = [1, 512], strides = [1, 1]} : vector<8x512xi32> to vector<1x512xi32>
    %squeeze3A_87 = vector.shape_cast %slice3A_86 : vector<1x512xi32> to vector<512xi32>
    %broadcast_in_dim3A_88 = vector.shape_cast %squeeze3A_87 : vector<512xi32> to vector<1x512xi32>
    %eq3A_89 = vector.broadcast %broadcast_in_dim3A_88 : vector<1x512xi32> to vector<2048x512xi32>
    %eq3A_90 = arith.cmpi eq, %iota3A_11, %eq3A_89 : vector<2048x512xi32>
    %jit3A_91 = arith.constant 1.000000e+00 : f32
    %jit3A_92 = arith.constant 0.000000e+00 : f32
    %broadcast_in_dim3A_93 = vector.broadcast %jit3A_91 : f32 to vector<2048x512xf32>
    %broadcast_in_dim3A_94 = vector.broadcast %jit3A_92 : f32 to vector<2048x512xf32>
    %select_n3A_95 = arith.select %eq3A_90, %broadcast_in_dim3A_93, %broadcast_in_dim3A_94 : vector<2048x512xi1>, vector<2048x512xf32>
    %get3A_96 = arith.constant 2 : index
    %get3A_97 = arith.constant 0 : index
    %get3A_98 = arith.constant 0 : index
    %get3A_99 = vector.load %arg1[%get3A_96, %get3A_97, %get3A_98] : memref<8x64x2048xf32, #tpu.memory_space<vmem>>, vector<1x64x2048xf32>
    %get3A_100 = vector.shape_cast %get3A_99 : vector<1x64x2048xf32> to vector<64x2048xf32>
    %dot_general3A_101 = arith.constant dense<0.000000e+00> : vector<64x512xf32>
    %dot_general3A_102 = tpu.matmul %get3A_100, %select_n3A_95, %dot_general3A_101 {dimension_numbers = #tpu.dot_dimension_numbers<[1], [0], [0], [1], [0, 0, 1, 1], [], []>, precision = #tpu.contract_precision<fp32>, transpose_lhs_hint = false} : vector<64x2048xf32>, vector<2048x512xf32>, vector<64x512xf32> -> vector<64x512xf32>
    %slice3A_103 = vector.extract_strided_slice %scan3A_9#2 {offsets = [2, 0], sizes = [1, 512], strides = [1, 1]} : vector<8x512xf32> to vector<1x512xf32>
    %squeeze3A_104 = vector.shape_cast %slice3A_103 : vector<1x512xf32> to vector<512xf32>
    %broadcast_in_dim3A_105 = vector.shape_cast %squeeze3A_104 : vector<512xf32> to vector<1x512xf32>
    %mul3A_106 = vector.broadcast %broadcast_in_dim3A_105 : vector<1x512xf32> to vector<64x512xf32>
    %mul3A_107 = arith.mulf %dot_general3A_102, %mul3A_106 : vector<64x512xf32>
    %swap3A_108 = arith.constant 2 : index
    %swap3A_109 = arith.constant 0 : index
    %swap3A_110 = arith.constant 0 : index
    %swap3A_111 = vector.load %arg4[%swap3A_108, %swap3A_109, %swap3A_110] : memref<8x64x512xf32, #tpu.memory_space<vmem>>, vector<1x64x512xf32>
    %swap3A_112 = vector.shape_cast %swap3A_111 : vector<1x64x512xf32> to vector<64x512xf32>
    %swap3A_113 = vector.shape_cast %mul3A_107 : vector<64x512xf32> to vector<1x64x512xf32>
    tpu.vector_store %arg4[%swap3A_108, %swap3A_109, %swap3A_110], %swap3A_113 {strides = array<i32>} : memref<8x64x512xf32, #tpu.memory_space<vmem>>, vector<1x64x512xf32>,
    %get3A_114 = arith.constant 2 : index
    %get3A_115 = arith.constant 0 : index
    %get3A_116 = arith.constant 0 : index
    %get3A_117 = vector.load %arg2[%get3A_114, %get3A_115, %get3A_116] : memref<8x8x2048xf32, #tpu.memory_space<vmem>>, vector<1x8x2048xf32>
    %get3A_118 = vector.shape_cast %get3A_117 : vector<1x8x2048xf32> to vector<8x2048xf32>
    %dot_general3A_119 = arith.constant dense<0.000000e+00> : vector<8x512xf32>
    %dot_general3A_120 = tpu.matmul %get3A_118, %select_n3A_95, %dot_general3A_119 {dimension_numbers = #tpu.dot_dimension_numbers<[1], [0], [0], [1], [0, 0, 1, 1], [], []>, precision = #tpu.contract_precision<fp32>, transpose_lhs_hint = false} : vector<8x2048xf32>, vector<2048x512xf32>, vector<8x512xf32> -> vector<8x512xf32>
    %swap3A_121 = arith.constant 2 : index
    %swap3A_122 = arith.constant 0 : index
    %swap3A_123 = arith.constant 0 : index
    %swap3A_124 = vector.load %arg3[%swap3A_121, %swap3A_122, %swap3A_123] : memref<8x8x512xf32, #tpu.memory_space<vmem>>, vector<1x8x512xf32>
    %swap3A_125 = vector.shape_cast %swap3A_124 : vector<1x8x512xf32> to vector<8x512xf32>
    %swap3A_126 = vector.shape_cast %dot_general3A_120 : vector<8x512xf32> to vector<1x8x512xf32>
    tpu.vector_store %arg3[%swap3A_121, %swap3A_122, %swap3A_123], %swap3A_126 {strides = array<i32>} : memref<8x8x512xf32, #tpu.memory_space<vmem>>, vector<1x8x512xf32>,
    %slice3A_127 = vector.extract_strided_slice %scan3A_9#1 {offsets = [3, 0], sizes = [1, 512], strides = [1, 1]} : vector<8x512xi32> to vector<1x512xi32>
    %squeeze3A_128 = vector.shape_cast %slice3A_127 : vector<1x512xi32> to vector<512xi32>
    %broadcast_in_dim3A_129 = vector.shape_cast %squeeze3A_128 : vector<512xi32> to vector<1x512xi32>
    %eq3A_130 = vector.broadcast %broadcast_in_dim3A_129 : vector<1x512xi32> to vector<2048x512xi32>
    %eq3A_131 = arith.cmpi eq, %iota3A_11, %eq3A_130 : vector<2048x512xi32>
    %jit3A_132 = arith.constant 1.000000e+00 : f32
    %jit3A_133 = arith.constant 0.000000e+00 : f32
    %broadcast_in_dim3A_134 = vector.broadcast %jit3A_132 : f32 to vector<2048x512xf32>
    %broadcast_in_dim3A_135 = vector.broadcast %jit3A_133 : f32 to vector<2048x512xf32>
    %select_n3A_136 = arith.select %eq3A_131, %broadcast_in_dim3A_134, %broadcast_in_dim3A_135 : vector<2048x512xi1>, vector<2048x512xf32>
    %get3A_137 = arith.constant 3 : index
    %get3A_138 = arith.constant 0 : index
    %get3A_139 = arith.constant 0 : index
    %get3A_140 = vector.load %arg1[%get3A_137, %get3A_138, %get3A_139] : memref<8x64x2048xf32, #tpu.memory_space<vmem>>, vector<1x64x2048xf32>
    %get3A_141 = vector.shape_cast %get3A_140 : vector<1x64x2048xf32> to vector<64x2048xf32>
    %dot_general3A_142 = arith.constant dense<0.000000e+00> : vector<64x512xf32>
    %dot_general3A_143 = tpu.matmul %get3A_141, %select_n3A_136, %dot_general3A_142 {dimension_numbers = #tpu.dot_dimension_numbers<[1], [0], [0], [1], [0, 0, 1, 1], [], []>, precision = #tpu.contract_precision<fp32>, transpose_lhs_hint = false} : vector<64x2048xf32>, vector<2048x512xf32>, vector<64x512xf32> -> vector<64x512xf32>
    %slice3A_144 = vector.extract_strided_slice %scan3A_9#2 {offsets = [3, 0], sizes = [1, 512], strides = [1, 1]} : vector<8x512xf32> to vector<1x512xf32>
    %squeeze3A_145 = vector.shape_cast %slice3A_144 : vector<1x512xf32> to vector<512xf32>
    %broadcast_in_dim3A_146 = vector.shape_cast %squeeze3A_145 : vector<512xf32> to vector<1x512xf32>
    %mul3A_147 = vector.broadcast %broadcast_in_dim3A_146 : vector<1x512xf32> to vector<64x512xf32>
    %mul3A_148 = arith.mulf %dot_general3A_143, %mul3A_147 : vector<64x512xf32>
    %swap3A_149 = arith.constant 3 : index
    %swap3A_150 = arith.constant 0 : index
    %swap3A_151 = arith.constant 0 : index
    %swap3A_152 = vector.load %arg4[%swap3A_149, %swap3A_150, %swap3A_151] : memref<8x64x512xf32, #tpu.memory_space<vmem>>, vector<1x64x512xf32>
    %swap3A_153 = vector.shape_cast %swap3A_152 : vector<1x64x512xf32> to vector<64x512xf32>
    %swap3A_154 = vector.shape_cast %mul3A_148 : vector<64x512xf32> to vector<1x64x512xf32>
    tpu.vector_store %arg4[%swap3A_149, %swap3A_150, %swap3A_151], %swap3A_154 {strides = array<i32>} : memref<8x64x512xf32, #tpu.memory_space<vmem>>, vector<1x64x512xf32>,
    %get3A_155 = arith.constant 3 : index
    %get3A_156 = arith.constant 0 : index
    %get3A_157 = arith.constant 0 : index
    %get3A_158 = vector.load %arg2[%get3A_155, %get3A_156, %get3A_157] : memref<8x8x2048xf32, #tpu.memory_space<vmem>>, vector<1x8x2048xf32>
    %get3A_159 = vector.shape_cast %get3A_158 : vector<1x8x2048xf32> to vector<8x2048xf32>
    %dot_general3A_160 = arith.constant dense<0.000000e+00> : vector<8x512xf32>
    %dot_general3A_161 = tpu.matmul %get3A_159, %select_n3A_136, %dot_general3A_160 {dimension_numbers = #tpu.dot_dimension_numbers<[1], [0], [0], [1], [0, 0, 1, 1], [], []>, precision = #tpu.contract_precision<fp32>, transpose_lhs_hint = false} : vector<8x2048xf32>, vector<2048x512xf32>, vector<8x512xf32> -> vector<8x512xf32>
    %swap3A_162 = arith.constant 3 : index
    %swap3A_163 = arith.constant 0 : index
    %swap3A_164 = arith.constant 0 : index
    %swap3A_165 = vector.load %arg3[%swap3A_162, %swap3A_163, %swap3A_164] : memref<8x8x512xf32, #tpu.memory_space<vmem>>, vector<1x8x512xf32>
    %swap3A_166 = vector.shape_cast %swap3A_165 : vector<1x8x512xf32> to vector<8x512xf32>
    %swap3A_167 = vector.shape_cast %dot_general3A_161 : vector<8x512xf32> to vector<1x8x512xf32>
    tpu.vector_store %arg3[%swap3A_162, %swap3A_163, %swap3A_164], %swap3A_167 {strides = array<i32>} : memref<8x8x512xf32, #tpu.memory_space<vmem>>, vector<1x8x512xf32>,
    %slice3A_168 = vector.extract_strided_slice %scan3A_9#1 {offsets = [4, 0], sizes = [1, 512], strides = [1, 1]} : vector<8x512xi32> to vector<1x512xi32>
    %squeeze3A_169 = vector.shape_cast %slice3A_168 : vector<1x512xi32> to vector<512xi32>
    %broadcast_in_dim3A_170 = vector.shape_cast %squeeze3A_169 : vector<512xi32> to vector<1x512xi32>
    %eq3A_171 = vector.broadcast %broadcast_in_dim3A_170 : vector<1x512xi32> to vector<2048x512xi32>
    %eq3A_172 = arith.cmpi eq, %iota3A_11, %eq3A_171 : vector<2048x512xi32>
    %jit3A_173 = arith.constant 1.000000e+00 : f32
    %jit3A_174 = arith.constant 0.000000e+00 : f32
    %broadcast_in_dim3A_175 = vector.broadcast %jit3A_173 : f32 to vector<2048x512xf32>
    %broadcast_in_dim3A_176 = vector.broadcast %jit3A_174 : f32 to vector<2048x512xf32>
    %select_n3A_177 = arith.select %eq3A_172, %broadcast_in_dim3A_175, %broadcast_in_dim3A_176 : vector<2048x512xi1>, vector<2048x512xf32>
    %get3A_178 = arith.constant 4 : index
    %get3A_179 = arith.constant 0 : index
    %get3A_180 = arith.constant 0 : index
    %get3A_181 = vector.load %arg1[%get3A_178, %get3A_179, %get3A_180] : memref<8x64x2048xf32, #tpu.memory_space<vmem>>, vector<1x64x2048xf32>
    %get3A_182 = vector.shape_cast %get3A_181 : vector<1x64x2048xf32> to vector<64x2048xf32>
    %dot_general3A_183 = arith.constant dense<0.000000e+00> : vector<64x512xf32>
    %dot_general3A_184 = tpu.matmul %get3A_182, %select_n3A_177, %dot_general3A_183 {dimension_numbers = #tpu.dot_dimension_numbers<[1], [0], [0], [1], [0, 0, 1, 1], [], []>, precision = #tpu.contract_precision<fp32>, transpose_lhs_hint = false} : vector<64x2048xf32>, vector<2048x512xf32>, vector<64x512xf32> -> vector<64x512xf32>
    %slice3A_185 = vector.extract_strided_slice %scan3A_9#2 {offsets = [4, 0], sizes = [1, 512], strides = [1, 1]} : vector<8x512xf32> to vector<1x512xf32>
    %squeeze3A_186 = vector.shape_cast %slice3A_185 : vector<1x512xf32> to vector<512xf32>
    %broadcast_in_dim3A_187 = vector.shape_cast %squeeze3A_186 : vector<512xf32> to vector<1x512xf32>
    %mul3A_188 = vector.broadcast %broadcast_in_dim3A_187 : vector<1x512xf32> to vector<64x512xf32>
    %mul3A_189 = arith.mulf %dot_general3A_184, %mul3A_188 : vector<64x512xf32>
    %swap3A_190 = arith.constant 4 : index
    %swap3A_191 = arith.constant 0 : index
    %swap3A_192 = arith.constant 0 : index
    %swap3A_193 = vector.load %arg4[%swap3A_190, %swap3A_191, %swap3A_192] : memref<8x64x512xf32, #tpu.memory_space<vmem>>, vector<1x64x512xf32>
    %swap3A_194 = vector.shape_cast %swap3A_193 : vector<1x64x512xf32> to vector<64x512xf32>
    %swap3A_195 = vector.shape_cast %mul3A_189 : vector<64x512xf32> to vector<1x64x512xf32>
    tpu.vector_store %arg4[%swap3A_190, %swap3A_191, %swap3A_192], %swap3A_195 {strides = array<i32>} : memref<8x64x512xf32, #tpu.memory_space<vmem>>, vector<1x64x512xf32>,
    %get3A_196 = arith.constant 4 : index
    %get3A_197 = arith.constant 0 : index
    %get3A_198 = arith.constant 0 : index
    %get3A_199 = vector.load %arg2[%get3A_196, %get3A_197, %get3A_198] : memref<8x8x2048xf32, #tpu.memory_space<vmem>>, vector<1x8x2048xf32>
    %get3A_200 = vector.shape_cast %get3A_199 : vector<1x8x2048xf32> to vector<8x2048xf32>
    %dot_general3A_201 = arith.constant dense<0.000000e+00> : vector<8x512xf32>
    %dot_general3A_202 = tpu.matmul %get3A_200, %select_n3A_177, %dot_general3A_201 {dimension_numbers = #tpu.dot_dimension_numbers<[1], [0], [0], [1], [0, 0, 1, 1], [], []>, precision = #tpu.contract_precision<fp32>, transpose_lhs_hint = false} : vector<8x2048xf32>, vector<2048x512xf32>, vector<8x512xf32> -> vector<8x512xf32>
    %swap3A_203 = arith.constant 4 : index
    %swap3A_204 = arith.constant 0 : index
    %swap3A_205 = arith.constant 0 : index
    %swap3A_206 = vector.load %arg3[%swap3A_203, %swap3A_204, %swap3A_205] : memref<8x8x512xf32, #tpu.memory_space<vmem>>, vector<1x8x512xf32>
    %swap3A_207 = vector.shape_cast %swap3A_206 : vector<1x8x512xf32> to vector<8x512xf32>
    %swap3A_208 = vector.shape_cast %dot_general3A_202 : vector<8x512xf32> to vector<1x8x512xf32>
    tpu.vector_store %arg3[%swap3A_203, %swap3A_204, %swap3A_205], %swap3A_208 {strides = array<i32>} : memref<8x8x512xf32, #tpu.memory_space<vmem>>, vector<1x8x512xf32>,
    %slice3A_209 = vector.extract_strided_slice %scan3A_9#1 {offsets = [5, 0], sizes = [1, 512], strides = [1, 1]} : vector<8x512xi32> to vector<1x512xi32>
    %squeeze3A_210 = vector.shape_cast %slice3A_209 : vector<1x512xi32> to vector<512xi32>
    %broadcast_in_dim3A_211 = vector.shape_cast %squeeze3A_210 : vector<512xi32> to vector<1x512xi32>
    %eq3A_212 = vector.broadcast %broadcast_in_dim3A_211 : vector<1x512xi32> to vector<2048x512xi32>
    %eq3A_213 = arith.cmpi eq, %iota3A_11, %eq3A_212 : vector<2048x512xi32>
    %jit3A_214 = arith.constant 1.000000e+00 : f32
    %jit3A_215 = arith.constant 0.000000e+00 : f32
    %broadcast_in_dim3A_216 = vector.broadcast %jit3A_214 : f32 to vector<2048x512xf32>
    %broadcast_in_dim3A_217 = vector.broadcast %jit3A_215 : f32 to vector<2048x512xf32>
    %select_n3A_218 = arith.select %eq3A_213, %broadcast_in_dim3A_216, %broadcast_in_dim3A_217 : vector<2048x512xi1>, vector<2048x512xf32>
    %get3A_219 = arith.constant 5 : index
    %get3A_220 = arith.constant 0 : index
    %get3A_221 = arith.constant 0 : index
    %get3A_222 = vector.load %arg1[%get3A_219, %get3A_220, %get3A_221] : memref<8x64x2048xf32, #tpu.memory_space<vmem>>, vector<1x64x2048xf32>
    %get3A_223 = vector.shape_cast %get3A_222 : vector<1x64x2048xf32> to vector<64x2048xf32>
    %dot_general3A_224 = arith.constant dense<0.000000e+00> : vector<64x512xf32>
    %dot_general3A_225 = tpu.matmul %get3A_223, %select_n3A_218, %dot_general3A_224 {dimension_numbers = #tpu.dot_dimension_numbers<[1], [0], [0], [1], [0, 0, 1, 1], [], []>, precision = #tpu.contract_precision<fp32>, transpose_lhs_hint = false} : vector<64x2048xf32>, vector<2048x512xf32>, vector<64x512xf32> -> vector<64x512xf32>
    %slice3A_226 = vector.extract_strided_slice %scan3A_9#2 {offsets = [5, 0], sizes = [1, 512], strides = [1, 1]} : vector<8x512xf32> to vector<1x512xf32>
    %squeeze3A_227 = vector.shape_cast %slice3A_226 : vector<1x512xf32> to vector<512xf32>
    %broadcast_in_dim3A_228 = vector.shape_cast %squeeze3A_227 : vector<512xf32> to vector<1x512xf32>
    %mul3A_229 = vector.broadcast %broadcast_in_dim3A_228 : vector<1x512xf32> to vector<64x512xf32>
    %mul3A_230 = arith.mulf %dot_general3A_225, %mul3A_229 : vector<64x512xf32>
    %swap3A_231 = arith.constant 5 : index
    %swap3A_232 = arith.constant 0 : index
    %swap3A_233 = arith.constant 0 : index
    %swap3A_234 = vector.load %arg4[%swap3A_231, %swap3A_232, %swap3A_233] : memref<8x64x512xf32, #tpu.memory_space<vmem>>, vector<1x64x512xf32>
    %swap3A_235 = vector.shape_cast %swap3A_234 : vector<1x64x512xf32> to vector<64x512xf32>
    %swap3A_236 = vector.shape_cast %mul3A_230 : vector<64x512xf32> to vector<1x64x512xf32>
    tpu.vector_store %arg4[%swap3A_231, %swap3A_232, %swap3A_233], %swap3A_236 {strides = array<i32>} : memref<8x64x512xf32, #tpu.memory_space<vmem>>, vector<1x64x512xf32>,
    %get3A_237 = arith.constant 5 : index
    %get3A_238 = arith.constant 0 : index
    %get3A_239 = arith.constant 0 : index
    %get3A_240 = vector.load %arg2[%get3A_237, %get3A_238, %get3A_239] : memref<8x8x2048xf32, #tpu.memory_space<vmem>>, vector<1x8x2048xf32>
    %get3A_241 = vector.shape_cast %get3A_240 : vector<1x8x2048xf32> to vector<8x2048xf32>
    %dot_general3A_242 = arith.constant dense<0.000000e+00> : vector<8x512xf32>
    %dot_general3A_243 = tpu.matmul %get3A_241, %select_n3A_218, %dot_general3A_242 {dimension_numbers = #tpu.dot_dimension_numbers<[1], [0], [0], [1], [0, 0, 1, 1], [], []>, precision = #tpu.contract_precision<fp32>, transpose_lhs_hint = false} : vector<8x2048xf32>, vector<2048x512xf32>, vector<8x512xf32> -> vector<8x512xf32>
    %swap3A_244 = arith.constant 5 : index
    %swap3A_245 = arith.constant 0 : index
    %swap3A_246 = arith.constant 0 : index
    %swap3A_247 = vector.load %arg3[%swap3A_244, %swap3A_245, %swap3A_246] : memref<8x8x512xf32, #tpu.memory_space<vmem>>, vector<1x8x512xf32>
    %swap3A_248 = vector.shape_cast %swap3A_247 : vector<1x8x512xf32> to vector<8x512xf32>
    %swap3A_249 = vector.shape_cast %dot_general3A_243 : vector<8x512xf32> to vector<1x8x512xf32>
    tpu.vector_store %arg3[%swap3A_244, %swap3A_245, %swap3A_246], %swap3A_249 {strides = array<i32>} : memref<8x8x512xf32, #tpu.memory_space<vmem>>, vector<1x8x512xf32>,
    %slice3A_250 = vector.extract_strided_slice %scan3A_9#1 {offsets = [6, 0], sizes = [1, 512], strides = [1, 1]} : vector<8x512xi32> to vector<1x512xi32>
    %squeeze3A_251 = vector.shape_cast %slice3A_250 : vector<1x512xi32> to vector<512xi32>
    %broadcast_in_dim3A_252 = vector.shape_cast %squeeze3A_251 : vector<512xi32> to vector<1x512xi32>
    %eq3A_253 = vector.broadcast %broadcast_in_dim3A_252 : vector<1x512xi32> to vector<2048x512xi32>
    %eq3A_254 = arith.cmpi eq, %iota3A_11, %eq3A_253 : vector<2048x512xi32>
    %jit3A_255 = arith.constant 1.000000e+00 : f32
    %jit3A_256 = arith.constant 0.000000e+00 : f32
    %broadcast_in_dim3A_257 = vector.broadcast %jit3A_255 : f32 to vector<2048x512xf32>
    %broadcast_in_dim3A_258 = vector.broadcast %jit3A_256 : f32 to vector<2048x512xf32>
    %select_n3A_259 = arith.select %eq3A_254, %broadcast_in_dim3A_257, %broadcast_in_dim3A_258 : vector<2048x512xi1>, vector<2048x512xf32>
    %get3A_260 = arith.constant 6 : index
    %get3A_261 = arith.constant 0 : index
    %get3A_262 = arith.constant 0 : index
    %get3A_263 = vector.load %arg1[%get3A_260, %get3A_261, %get3A_262] : memref<8x64x2048xf32, #tpu.memory_space<vmem>>, vector<1x64x2048xf32>
    %get3A_264 = vector.shape_cast %get3A_263 : vector<1x64x2048xf32> to vector<64x2048xf32>
    %dot_general3A_265 = arith.constant dense<0.000000e+00> : vector<64x512xf32>
    %dot_general3A_266 = tpu.matmul %get3A_264, %select_n3A_259, %dot_general3A_265 {dimension_numbers = #tpu.dot_dimension_numbers<[1], [0], [0], [1], [0, 0, 1, 1], [], []>, precision = #tpu.contract_precision<fp32>, transpose_lhs_hint = false} : vector<64x2048xf32>, vector<2048x512xf32>, vector<64x512xf32> -> vector<64x512xf32>
    %slice3A_267 = vector.extract_strided_slice %scan3A_9#2 {offsets = [6, 0], sizes = [1, 512], strides = [1, 1]} : vector<8x512xf32> to vector<1x512xf32>
    %squeeze3A_268 = vector.shape_cast %slice3A_267 : vector<1x512xf32> to vector<512xf32>
    %broadcast_in_dim3A_269 = vector.shape_cast %squeeze3A_268 : vector<512xf32> to vector<1x512xf32>
    %mul3A_270 = vector.broadcast %broadcast_in_dim3A_269 : vector<1x512xf32> to vector<64x512xf32>
    %mul3A_271 = arith.mulf %dot_general3A_266, %mul3A_270 : vector<64x512xf32>
    %swap3A_272 = arith.constant 6 : index
    %swap3A_273 = arith.constant 0 : index
    %swap3A_274 = arith.constant 0 : index
    %swap3A_275 = vector.load %arg4[%swap3A_272, %swap3A_273, %swap3A_274] : memref<8x64x512xf32, #tpu.memory_space<vmem>>, vector<1x64x512xf32>
    %swap3A_276 = vector.shape_cast %swap3A_275 : vector<1x64x512xf32> to vector<64x512xf32>
    %swap3A_277 = vector.shape_cast %mul3A_271 : vector<64x512xf32> to vector<1x64x512xf32>
    tpu.vector_store %arg4[%swap3A_272, %swap3A_273, %swap3A_274], %swap3A_277 {strides = array<i32>} : memref<8x64x512xf32, #tpu.memory_space<vmem>>, vector<1x64x512xf32>,
    %get3A_278 = arith.constant 6 : index
    %get3A_279 = arith.constant 0 : index
    %get3A_280 = arith.constant 0 : index
    %get3A_281 = vector.load %arg2[%get3A_278, %get3A_279, %get3A_280] : memref<8x8x2048xf32, #tpu.memory_space<vmem>>, vector<1x8x2048xf32>
    %get3A_282 = vector.shape_cast %get3A_281 : vector<1x8x2048xf32> to vector<8x2048xf32>
    %dot_general3A_283 = arith.constant dense<0.000000e+00> : vector<8x512xf32>
    %dot_general3A_284 = tpu.matmul %get3A_282, %select_n3A_259, %dot_general3A_283 {dimension_numbers = #tpu.dot_dimension_numbers<[1], [0], [0], [1], [0, 0, 1, 1], [], []>, precision = #tpu.contract_precision<fp32>, transpose_lhs_hint = false} : vector<8x2048xf32>, vector<2048x512xf32>, vector<8x512xf32> -> vector<8x512xf32>
    %swap3A_285 = arith.constant 6 : index
    %swap3A_286 = arith.constant 0 : index
    %swap3A_287 = arith.constant 0 : index
    %swap3A_288 = vector.load %arg3[%swap3A_285, %swap3A_286, %swap3A_287] : memref<8x8x512xf32, #tpu.memory_space<vmem>>, vector<1x8x512xf32>
    %swap3A_289 = vector.shape_cast %swap3A_288 : vector<1x8x512xf32> to vector<8x512xf32>
    %swap3A_290 = vector.shape_cast %dot_general3A_284 : vector<8x512xf32> to vector<1x8x512xf32>
    tpu.vector_store %arg3[%swap3A_285, %swap3A_286, %swap3A_287], %swap3A_290 {strides = array<i32>} : memref<8x8x512xf32, #tpu.memory_space<vmem>>, vector<1x8x512xf32>,
    %slice3A_291 = vector.extract_strided_slice %scan3A_9#1 {offsets = [7, 0], sizes = [1, 512], strides = [1, 1]} : vector<8x512xi32> to vector<1x512xi32>
    %squeeze3A_292 = vector.shape_cast %slice3A_291 : vector<1x512xi32> to vector<512xi32>
    %broadcast_in_dim3A_293 = vector.shape_cast %squeeze3A_292 : vector<512xi32> to vector<1x512xi32>
    %eq3A_294 = vector.broadcast %broadcast_in_dim3A_293 : vector<1x512xi32> to vector<2048x512xi32>
    %eq3A_295 = arith.cmpi eq, %iota3A_11, %eq3A_294 : vector<2048x512xi32>
    %jit3A_296 = arith.constant 1.000000e+00 : f32
    %jit3A_297 = arith.constant 0.000000e+00 : f32
    %broadcast_in_dim3A_298 = vector.broadcast %jit3A_296 : f32 to vector<2048x512xf32>
    %broadcast_in_dim3A_299 = vector.broadcast %jit3A_297 : f32 to vector<2048x512xf32>
    %select_n3A_300 = arith.select %eq3A_295, %broadcast_in_dim3A_298, %broadcast_in_dim3A_299 : vector<2048x512xi1>, vector<2048x512xf32>
    %get3A_301 = arith.constant 7 : index
    %get3A_302 = arith.constant 0 : index
    %get3A_303 = arith.constant 0 : index
    %get3A_304 = vector.load %arg1[%get3A_301, %get3A_302, %get3A_303] : memref<8x64x2048xf32, #tpu.memory_space<vmem>>, vector<1x64x2048xf32>
    %get3A_305 = vector.shape_cast %get3A_304 : vector<1x64x2048xf32> to vector<64x2048xf32>
    %dot_general3A_306 = arith.constant dense<0.000000e+00> : vector<64x512xf32>
    %dot_general3A_307 = tpu.matmul %get3A_305, %select_n3A_300, %dot_general3A_306 {dimension_numbers = #tpu.dot_dimension_numbers<[1], [0], [0], [1], [0, 0, 1, 1], [], []>, precision = #tpu.contract_precision<fp32>, transpose_lhs_hint = false} : vector<64x2048xf32>, vector<2048x512xf32>, vector<64x512xf32> -> vector<64x512xf32>
    %slice3A_308 = vector.extract_strided_slice %scan3A_9#2 {offsets = [7, 0], sizes = [1, 512], strides = [1, 1]} : vector<8x512xf32> to vector<1x512xf32>
    %squeeze3A_309 = vector.shape_cast %slice3A_308 : vector<1x512xf32> to vector<512xf32>
    %broadcast_in_dim3A_310 = vector.shape_cast %squeeze3A_309 : vector<512xf32> to vector<1x512xf32>
    %mul3A_311 = vector.broadcast %broadcast_in_dim3A_310 : vector<1x512xf32> to vector<64x512xf32>
    %mul3A_312 = arith.mulf %dot_general3A_307, %mul3A_311 : vector<64x512xf32>
    %swap3A_313 = arith.constant 7 : index
    %swap3A_314 = arith.constant 0 : index
    %swap3A_315 = arith.constant 0 : index
    %swap3A_316 = vector.load %arg4[%swap3A_313, %swap3A_314, %swap3A_315] : memref<8x64x512xf32, #tpu.memory_space<vmem>>, vector<1x64x512xf32>
    %swap3A_317 = vector.shape_cast %swap3A_316 : vector<1x64x512xf32> to vector<64x512xf32>
    %swap3A_318 = vector.shape_cast %mul3A_312 : vector<64x512xf32> to vector<1x64x512xf32>
    tpu.vector_store %arg4[%swap3A_313, %swap3A_314, %swap3A_315], %swap3A_318 {strides = array<i32>} : memref<8x64x512xf32, #tpu.memory_space<vmem>>, vector<1x64x512xf32>,
    %get3A_319 = arith.constant 7 : index
    %get3A_320 = arith.constant 0 : index
    %get3A_321 = arith.constant 0 : index
    %get3A_322 = vector.load %arg2[%get3A_319, %get3A_320, %get3A_321] : memref<8x8x2048xf32, #tpu.memory_space<vmem>>, vector<1x8x2048xf32>
    %get3A_323 = vector.shape_cast %get3A_322 : vector<1x8x2048xf32> to vector<8x2048xf32>
    %dot_general3A_324 = arith.constant dense<0.000000e+00> : vector<8x512xf32>
    %dot_general3A_325 = tpu.matmul %get3A_323, %select_n3A_300, %dot_general3A_324 {dimension_numbers = #tpu.dot_dimension_numbers<[1], [0], [0], [1], [0, 0, 1, 1], [], []>, precision = #tpu.contract_precision<fp32>, transpose_lhs_hint = false} : vector<8x2048xf32>, vector<2048x512xf32>, vector<8x512xf32> -> vector<8x512xf32>
    %swap3A_326 = arith.constant 7 : index
    %swap3A_327 = arith.constant 0 : index
    %swap3A_328 = arith.constant 0 : index
    %swap3A_329 = vector.load %arg3[%swap3A_326, %swap3A_327, %swap3A_328] : memref<8x8x512xf32, #tpu.memory_space<vmem>>, vector<1x8x512xf32>
    %swap3A_330 = vector.shape_cast %swap3A_329 : vector<1x8x512xf32> to vector<8x512xf32>
    %swap3A_331 = vector.shape_cast %dot_general3A_325 : vector<8x512xf32> to vector<1x8x512xf32>
    tpu.vector_store %arg3[%swap3A_326, %swap3A_327, %swap3A_328], %swap3A_331 {strides = array<i32>} : memref<8x8x512xf32, #tpu.memory_space<vmem>>, vector<1x8x512xf32>,
    return
  }
}

module attributes {stable_mosaic.version = 14 : i64} {
  func.func @_pool_kernel(%arg0: memref<8x512xf32, #tpu.memory_space<vmem>>, %arg1: memref<8x64x512xf32, #tpu.memory_space<vmem>>, %arg2: memref<8x8x512xf32, #tpu.memory_space<vmem>>, %arg3: memref<8x8x128xf32, #tpu.memory_space<vmem>>, %arg4: memref<8x64x128xf32, #tpu.memory_space<vmem>>) attributes {dimension_semantics = [], scalar_prefetch = 0 : i64, scratch_operands = 0 : i64, tpu.core_type = #tpu.core_type<tc>} {
    %get3A = arith.constant 0 : index
    %get3A_0 = arith.constant 0 : index
    %get3A_1 = vector.load %arg0[%get3A, %get3A_0] : memref<8x512xf32, #tpu.memory_space<vmem>>, vector<8x512xf32>
    %iota3A = tpu.iota {dimensions = array<i32: 1>} : vector<8x512xi32>
    %iota3A_2 = tpu.iota {dimensions = array<i32: 1>} : vector<8x128xi32>
    %broadcast_in_dim3A = arith.constant 0 : i32
    %broadcast_in_dim3A_3 = vector.broadcast %broadcast_in_dim3A : i32 to vector<8x128xi32>
    %broadcast_in_dim3A_4 = arith.constant 0.000000e+00 : f32
    %broadcast_in_dim3A_5 = vector.broadcast %broadcast_in_dim3A_4 : f32 to vector<8x128xf32>
    %scan3A = arith.constant 0 : i32
    %scan3A_6 = arith.constant 128 : i32
    %scan3A_7 = arith.addi %scan3A, %scan3A_6 : i32
    %scan3A_8 = arith.constant 1 : i32
    %scan3A_9:3 = scf.for %scan3A_332 = %scan3A to %scan3A_7 step %scan3A_8 iter_args(%scan3A_333 = %get3A_1, %scan3A_334 = %broadcast_in_dim3A_3, %scan3A_335 = %broadcast_in_dim3A_5) -> (vector<8x512xf32>, vector<8x128xi32>, vector<8x128xf32>)  : i32 {
      %reduce_max3A = arith.constant dense<0xFF800000> : vector<8xf32>
      %reduce_max3A_336 = vector.multi_reduction <maximumf>, %scan3A_333, %reduce_max3A [1] : vector<8x512xf32> to vector<8xf32>
      %broadcast_in_dim3A_337 = vector.shape_cast %reduce_max3A_336 : vector<8xf32> to vector<8x1xf32>
      %eq3A_338 = vector.broadcast %broadcast_in_dim3A_337 : vector<8x1xf32> to vector<8x512xf32>
      %eq3A_339 = arith.cmpf oeq, %scan3A_333, %eq3A_338 : vector<8x512xf32>
      %jit3A_340 = arith.constant 1073741824 : i32
      %broadcast_in_dim3A_341 = vector.broadcast %jit3A_340 : i32 to vector<8x512xi32>
      %select_n3A_342 = arith.select %eq3A_339, %iota3A, %broadcast_in_dim3A_341 : vector<8x512xi1>, vector<8x512xi32>
      %reduce_min3A = arith.constant dense<2147483647> : vector<8xi32>
      %reduce_min3A_343 = vector.multi_reduction <minsi>, %select_n3A_342, %reduce_min3A [1] : vector<8x512xi32> to vector<8xi32>
      %broadcast_in_dim3A_344 = vector.shape_cast %reduce_min3A_343 : vector<8xi32> to vector<8x1xi32>
      %eq3A_345 = vector.broadcast %scan3A_332 : i32 to vector<8x128xi32>
      %eq3A_346 = arith.cmpi eq, %iota3A_2, %eq3A_345 : vector<8x128xi32>
      %broadcast_in_dim3A_347 = vector.shape_cast %broadcast_in_dim3A_344 : vector<8x1xi32> to vector<8x1xi32>
      %broadcast_in_dim3A_348 = vector.broadcast %broadcast_in_dim3A_347 : vector<8x1xi32> to vector<8x128xi32>
      %select_n3A_349 = arith.select %eq3A_346, %broadcast_in_dim3A_348, %scan3A_334 : vector<8x128xi1>, vector<8x128xi32>
      %eq3A_350 = vector.broadcast %scan3A_332 : i32 to vector<8x128xi32>
      %eq3A_351 = arith.cmpi eq, %iota3A_2, %eq3A_350 : vector<8x128xi32>
      %broadcast_in_dim3A_352 = vector.shape_cast %broadcast_in_dim3A_337 : vector<8x1xf32> to vector<8x1xf32>
      %broadcast_in_dim3A_353 = vector.broadcast %broadcast_in_dim3A_352 : vector<8x1xf32> to vector<8x128xf32>
      %select_n3A_354 = arith.select %eq3A_351, %broadcast_in_dim3A_353, %scan3A_335 : vector<8x128xi1>, vector<8x128xf32>
      %eq3A_355 = vector.broadcast %broadcast_in_dim3A_344 : vector<8x1xi32> to vector<8x512xi32>
      %eq3A_356 = arith.cmpi eq, %iota3A, %eq3A_355 : vector<8x512xi32>
      %jit3A_357 = arith.constant -3.000000e+38 : f32
      %broadcast_in_dim3A_358 = vector.broadcast %jit3A_357 : f32 to vector<8x512xf32>
      %select_n3A_359 = arith.select %eq3A_356, %broadcast_in_dim3A_358, %scan3A_333 : vector<8x512xi1>, vector<8x512xf32>
      scf.yield %select_n3A_359, %select_n3A_349, %select_n3A_354 : vector<8x512xf32>, vector<8x128xi32>, vector<8x128xf32>
    }
    %scan3A_10 = arith.constant 128 : i32
    %iota3A_11 = tpu.iota {dimensions = array<i32: 0>} : vector<512x128xi32>
    %slice3A = vector.extract_strided_slice %scan3A_9#1 {offsets = [0, 0], sizes = [1, 128], strides = [1, 1]} : vector<8x128xi32> to vector<1x128xi32>
    %squeeze3A = vector.shape_cast %slice3A : vector<1x128xi32> to vector<128xi32>
    %broadcast_in_dim3A_12 = vector.shape_cast %squeeze3A : vector<128xi32> to vector<1x128xi32>
    %eq3A = vector.broadcast %broadcast_in_dim3A_12 : vector<1x128xi32> to vector<512x128xi32>
    %eq3A_13 = arith.cmpi eq, %iota3A_11, %eq3A : vector<512x128xi32>
    %jit3A = arith.constant 1.000000e+00 : f32
    %jit3A_14 = arith.constant 0.000000e+00 : f32
    %broadcast_in_dim3A_15 = vector.broadcast %jit3A : f32 to vector<512x128xf32>
    %broadcast_in_dim3A_16 = vector.broadcast %jit3A_14 : f32 to vector<512x128xf32>
    %select_n3A = arith.select %eq3A_13, %broadcast_in_dim3A_15, %broadcast_in_dim3A_16 : vector<512x128xi1>, vector<512x128xf32>
    %get3A_17 = arith.constant 0 : index
    %get3A_18 = arith.constant 0 : index
    %get3A_19 = arith.constant 0 : index
    %get3A_20 = vector.load %arg1[%get3A_17, %get3A_18, %get3A_19] : memref<8x64x512xf32, #tpu.memory_space<vmem>>, vector<1x64x512xf32>
    %get3A_21 = vector.shape_cast %get3A_20 : vector<1x64x512xf32> to vector<64x512xf32>
    %dot_general3A = arith.constant dense<0.000000e+00> : vector<64x128xf32>
    %dot_general3A_22 = tpu.matmul %get3A_21, %select_n3A, %dot_general3A {dimension_numbers = #tpu.dot_dimension_numbers<[1], [0], [0], [1], [0, 0, 1, 1], [], []>, precision = #tpu.contract_precision<fp32>, transpose_lhs_hint = false} : vector<64x512xf32>, vector<512x128xf32>, vector<64x128xf32> -> vector<64x128xf32>
    %slice3A_23 = vector.extract_strided_slice %scan3A_9#2 {offsets = [0, 0], sizes = [1, 128], strides = [1, 1]} : vector<8x128xf32> to vector<1x128xf32>
    %squeeze3A_24 = vector.shape_cast %slice3A_23 : vector<1x128xf32> to vector<128xf32>
    %broadcast_in_dim3A_25 = vector.shape_cast %squeeze3A_24 : vector<128xf32> to vector<1x128xf32>
    %mul3A = vector.broadcast %broadcast_in_dim3A_25 : vector<1x128xf32> to vector<64x128xf32>
    %mul3A_26 = arith.mulf %dot_general3A_22, %mul3A : vector<64x128xf32>
    %swap3A = arith.constant 0 : index
    %swap3A_27 = arith.constant 0 : index
    %swap3A_28 = arith.constant 0 : index
    %swap3A_29 = vector.load %arg4[%swap3A, %swap3A_27, %swap3A_28] : memref<8x64x128xf32, #tpu.memory_space<vmem>>, vector<1x64x128xf32>
    %swap3A_30 = vector.shape_cast %swap3A_29 : vector<1x64x128xf32> to vector<64x128xf32>
    %swap3A_31 = vector.shape_cast %mul3A_26 : vector<64x128xf32> to vector<1x64x128xf32>
    tpu.vector_store %arg4[%swap3A, %swap3A_27, %swap3A_28], %swap3A_31 {strides = array<i32>} : memref<8x64x128xf32, #tpu.memory_space<vmem>>, vector<1x64x128xf32>,
    %get3A_32 = arith.constant 0 : index
    %get3A_33 = arith.constant 0 : index
    %get3A_34 = arith.constant 0 : index
    %get3A_35 = vector.load %arg2[%get3A_32, %get3A_33, %get3A_34] : memref<8x8x512xf32, #tpu.memory_space<vmem>>, vector<1x8x512xf32>
    %get3A_36 = vector.shape_cast %get3A_35 : vector<1x8x512xf32> to vector<8x512xf32>
    %dot_general3A_37 = arith.constant dense<0.000000e+00> : vector<8x128xf32>
    %dot_general3A_38 = tpu.matmul %get3A_36, %select_n3A, %dot_general3A_37 {dimension_numbers = #tpu.dot_dimension_numbers<[1], [0], [0], [1], [0, 0, 1, 1], [], []>, precision = #tpu.contract_precision<fp32>, transpose_lhs_hint = false} : vector<8x512xf32>, vector<512x128xf32>, vector<8x128xf32> -> vector<8x128xf32>
    %swap3A_39 = arith.constant 0 : index
    %swap3A_40 = arith.constant 0 : index
    %swap3A_41 = arith.constant 0 : index
    %swap3A_42 = vector.load %arg3[%swap3A_39, %swap3A_40, %swap3A_41] : memref<8x8x128xf32, #tpu.memory_space<vmem>>, vector<1x8x128xf32>
    %swap3A_43 = vector.shape_cast %swap3A_42 : vector<1x8x128xf32> to vector<8x128xf32>
    %swap3A_44 = vector.shape_cast %dot_general3A_38 : vector<8x128xf32> to vector<1x8x128xf32>
    tpu.vector_store %arg3[%swap3A_39, %swap3A_40, %swap3A_41], %swap3A_44 {strides = array<i32>} : memref<8x8x128xf32, #tpu.memory_space<vmem>>, vector<1x8x128xf32>,
    %slice3A_45 = vector.extract_strided_slice %scan3A_9#1 {offsets = [1, 0], sizes = [1, 128], strides = [1, 1]} : vector<8x128xi32> to vector<1x128xi32>
    %squeeze3A_46 = vector.shape_cast %slice3A_45 : vector<1x128xi32> to vector<128xi32>
    %broadcast_in_dim3A_47 = vector.shape_cast %squeeze3A_46 : vector<128xi32> to vector<1x128xi32>
    %eq3A_48 = vector.broadcast %broadcast_in_dim3A_47 : vector<1x128xi32> to vector<512x128xi32>
    %eq3A_49 = arith.cmpi eq, %iota3A_11, %eq3A_48 : vector<512x128xi32>
    %jit3A_50 = arith.constant 1.000000e+00 : f32
    %jit3A_51 = arith.constant 0.000000e+00 : f32
    %broadcast_in_dim3A_52 = vector.broadcast %jit3A_50 : f32 to vector<512x128xf32>
    %broadcast_in_dim3A_53 = vector.broadcast %jit3A_51 : f32 to vector<512x128xf32>
    %select_n3A_54 = arith.select %eq3A_49, %broadcast_in_dim3A_52, %broadcast_in_dim3A_53 : vector<512x128xi1>, vector<512x128xf32>
    %get3A_55 = arith.constant 1 : index
    %get3A_56 = arith.constant 0 : index
    %get3A_57 = arith.constant 0 : index
    %get3A_58 = vector.load %arg1[%get3A_55, %get3A_56, %get3A_57] : memref<8x64x512xf32, #tpu.memory_space<vmem>>, vector<1x64x512xf32>
    %get3A_59 = vector.shape_cast %get3A_58 : vector<1x64x512xf32> to vector<64x512xf32>
    %dot_general3A_60 = arith.constant dense<0.000000e+00> : vector<64x128xf32>
    %dot_general3A_61 = tpu.matmul %get3A_59, %select_n3A_54, %dot_general3A_60 {dimension_numbers = #tpu.dot_dimension_numbers<[1], [0], [0], [1], [0, 0, 1, 1], [], []>, precision = #tpu.contract_precision<fp32>, transpose_lhs_hint = false} : vector<64x512xf32>, vector<512x128xf32>, vector<64x128xf32> -> vector<64x128xf32>
    %slice3A_62 = vector.extract_strided_slice %scan3A_9#2 {offsets = [1, 0], sizes = [1, 128], strides = [1, 1]} : vector<8x128xf32> to vector<1x128xf32>
    %squeeze3A_63 = vector.shape_cast %slice3A_62 : vector<1x128xf32> to vector<128xf32>
    %broadcast_in_dim3A_64 = vector.shape_cast %squeeze3A_63 : vector<128xf32> to vector<1x128xf32>
    %mul3A_65 = vector.broadcast %broadcast_in_dim3A_64 : vector<1x128xf32> to vector<64x128xf32>
    %mul3A_66 = arith.mulf %dot_general3A_61, %mul3A_65 : vector<64x128xf32>
    %swap3A_67 = arith.constant 1 : index
    %swap3A_68 = arith.constant 0 : index
    %swap3A_69 = arith.constant 0 : index
    %swap3A_70 = vector.load %arg4[%swap3A_67, %swap3A_68, %swap3A_69] : memref<8x64x128xf32, #tpu.memory_space<vmem>>, vector<1x64x128xf32>
    %swap3A_71 = vector.shape_cast %swap3A_70 : vector<1x64x128xf32> to vector<64x128xf32>
    %swap3A_72 = vector.shape_cast %mul3A_66 : vector<64x128xf32> to vector<1x64x128xf32>
    tpu.vector_store %arg4[%swap3A_67, %swap3A_68, %swap3A_69], %swap3A_72 {strides = array<i32>} : memref<8x64x128xf32, #tpu.memory_space<vmem>>, vector<1x64x128xf32>,
    %get3A_73 = arith.constant 1 : index
    %get3A_74 = arith.constant 0 : index
    %get3A_75 = arith.constant 0 : index
    %get3A_76 = vector.load %arg2[%get3A_73, %get3A_74, %get3A_75] : memref<8x8x512xf32, #tpu.memory_space<vmem>>, vector<1x8x512xf32>
    %get3A_77 = vector.shape_cast %get3A_76 : vector<1x8x512xf32> to vector<8x512xf32>
    %dot_general3A_78 = arith.constant dense<0.000000e+00> : vector<8x128xf32>
    %dot_general3A_79 = tpu.matmul %get3A_77, %select_n3A_54, %dot_general3A_78 {dimension_numbers = #tpu.dot_dimension_numbers<[1], [0], [0], [1], [0, 0, 1, 1], [], []>, precision = #tpu.contract_precision<fp32>, transpose_lhs_hint = false} : vector<8x512xf32>, vector<512x128xf32>, vector<8x128xf32> -> vector<8x128xf32>
    %swap3A_80 = arith.constant 1 : index
    %swap3A_81 = arith.constant 0 : index
    %swap3A_82 = arith.constant 0 : index
    %swap3A_83 = vector.load %arg3[%swap3A_80, %swap3A_81, %swap3A_82] : memref<8x8x128xf32, #tpu.memory_space<vmem>>, vector<1x8x128xf32>
    %swap3A_84 = vector.shape_cast %swap3A_83 : vector<1x8x128xf32> to vector<8x128xf32>
    %swap3A_85 = vector.shape_cast %dot_general3A_79 : vector<8x128xf32> to vector<1x8x128xf32>
    tpu.vector_store %arg3[%swap3A_80, %swap3A_81, %swap3A_82], %swap3A_85 {strides = array<i32>} : memref<8x8x128xf32, #tpu.memory_space<vmem>>, vector<1x8x128xf32>,
    %slice3A_86 = vector.extract_strided_slice %scan3A_9#1 {offsets = [2, 0], sizes = [1, 128], strides = [1, 1]} : vector<8x128xi32> to vector<1x128xi32>
    %squeeze3A_87 = vector.shape_cast %slice3A_86 : vector<1x128xi32> to vector<128xi32>
    %broadcast_in_dim3A_88 = vector.shape_cast %squeeze3A_87 : vector<128xi32> to vector<1x128xi32>
    %eq3A_89 = vector.broadcast %broadcast_in_dim3A_88 : vector<1x128xi32> to vector<512x128xi32>
    %eq3A_90 = arith.cmpi eq, %iota3A_11, %eq3A_89 : vector<512x128xi32>
    %jit3A_91 = arith.constant 1.000000e+00 : f32
    %jit3A_92 = arith.constant 0.000000e+00 : f32
    %broadcast_in_dim3A_93 = vector.broadcast %jit3A_91 : f32 to vector<512x128xf32>
    %broadcast_in_dim3A_94 = vector.broadcast %jit3A_92 : f32 to vector<512x128xf32>
    %select_n3A_95 = arith.select %eq3A_90, %broadcast_in_dim3A_93, %broadcast_in_dim3A_94 : vector<512x128xi1>, vector<512x128xf32>
    %get3A_96 = arith.constant 2 : index
    %get3A_97 = arith.constant 0 : index
    %get3A_98 = arith.constant 0 : index
    %get3A_99 = vector.load %arg1[%get3A_96, %get3A_97, %get3A_98] : memref<8x64x512xf32, #tpu.memory_space<vmem>>, vector<1x64x512xf32>
    %get3A_100 = vector.shape_cast %get3A_99 : vector<1x64x512xf32> to vector<64x512xf32>
    %dot_general3A_101 = arith.constant dense<0.000000e+00> : vector<64x128xf32>
    %dot_general3A_102 = tpu.matmul %get3A_100, %select_n3A_95, %dot_general3A_101 {dimension_numbers = #tpu.dot_dimension_numbers<[1], [0], [0], [1], [0, 0, 1, 1], [], []>, precision = #tpu.contract_precision<fp32>, transpose_lhs_hint = false} : vector<64x512xf32>, vector<512x128xf32>, vector<64x128xf32> -> vector<64x128xf32>
    %slice3A_103 = vector.extract_strided_slice %scan3A_9#2 {offsets = [2, 0], sizes = [1, 128], strides = [1, 1]} : vector<8x128xf32> to vector<1x128xf32>
    %squeeze3A_104 = vector.shape_cast %slice3A_103 : vector<1x128xf32> to vector<128xf32>
    %broadcast_in_dim3A_105 = vector.shape_cast %squeeze3A_104 : vector<128xf32> to vector<1x128xf32>
    %mul3A_106 = vector.broadcast %broadcast_in_dim3A_105 : vector<1x128xf32> to vector<64x128xf32>
    %mul3A_107 = arith.mulf %dot_general3A_102, %mul3A_106 : vector<64x128xf32>
    %swap3A_108 = arith.constant 2 : index
    %swap3A_109 = arith.constant 0 : index
    %swap3A_110 = arith.constant 0 : index
    %swap3A_111 = vector.load %arg4[%swap3A_108, %swap3A_109, %swap3A_110] : memref<8x64x128xf32, #tpu.memory_space<vmem>>, vector<1x64x128xf32>
    %swap3A_112 = vector.shape_cast %swap3A_111 : vector<1x64x128xf32> to vector<64x128xf32>
    %swap3A_113 = vector.shape_cast %mul3A_107 : vector<64x128xf32> to vector<1x64x128xf32>
    tpu.vector_store %arg4[%swap3A_108, %swap3A_109, %swap3A_110], %swap3A_113 {strides = array<i32>} : memref<8x64x128xf32, #tpu.memory_space<vmem>>, vector<1x64x128xf32>,
    %get3A_114 = arith.constant 2 : index
    %get3A_115 = arith.constant 0 : index
    %get3A_116 = arith.constant 0 : index
    %get3A_117 = vector.load %arg2[%get3A_114, %get3A_115, %get3A_116] : memref<8x8x512xf32, #tpu.memory_space<vmem>>, vector<1x8x512xf32>
    %get3A_118 = vector.shape_cast %get3A_117 : vector<1x8x512xf32> to vector<8x512xf32>
    %dot_general3A_119 = arith.constant dense<0.000000e+00> : vector<8x128xf32>
    %dot_general3A_120 = tpu.matmul %get3A_118, %select_n3A_95, %dot_general3A_119 {dimension_numbers = #tpu.dot_dimension_numbers<[1], [0], [0], [1], [0, 0, 1, 1], [], []>, precision = #tpu.contract_precision<fp32>, transpose_lhs_hint = false} : vector<8x512xf32>, vector<512x128xf32>, vector<8x128xf32> -> vector<8x128xf32>
    %swap3A_121 = arith.constant 2 : index
    %swap3A_122 = arith.constant 0 : index
    %swap3A_123 = arith.constant 0 : index
    %swap3A_124 = vector.load %arg3[%swap3A_121, %swap3A_122, %swap3A_123] : memref<8x8x128xf32, #tpu.memory_space<vmem>>, vector<1x8x128xf32>
    %swap3A_125 = vector.shape_cast %swap3A_124 : vector<1x8x128xf32> to vector<8x128xf32>
    %swap3A_126 = vector.shape_cast %dot_general3A_120 : vector<8x128xf32> to vector<1x8x128xf32>
    tpu.vector_store %arg3[%swap3A_121, %swap3A_122, %swap3A_123], %swap3A_126 {strides = array<i32>} : memref<8x8x128xf32, #tpu.memory_space<vmem>>, vector<1x8x128xf32>,
    %slice3A_127 = vector.extract_strided_slice %scan3A_9#1 {offsets = [3, 0], sizes = [1, 128], strides = [1, 1]} : vector<8x128xi32> to vector<1x128xi32>
    %squeeze3A_128 = vector.shape_cast %slice3A_127 : vector<1x128xi32> to vector<128xi32>
    %broadcast_in_dim3A_129 = vector.shape_cast %squeeze3A_128 : vector<128xi32> to vector<1x128xi32>
    %eq3A_130 = vector.broadcast %broadcast_in_dim3A_129 : vector<1x128xi32> to vector<512x128xi32>
    %eq3A_131 = arith.cmpi eq, %iota3A_11, %eq3A_130 : vector<512x128xi32>
    %jit3A_132 = arith.constant 1.000000e+00 : f32
    %jit3A_133 = arith.constant 0.000000e+00 : f32
    %broadcast_in_dim3A_134 = vector.broadcast %jit3A_132 : f32 to vector<512x128xf32>
    %broadcast_in_dim3A_135 = vector.broadcast %jit3A_133 : f32 to vector<512x128xf32>
    %select_n3A_136 = arith.select %eq3A_131, %broadcast_in_dim3A_134, %broadcast_in_dim3A_135 : vector<512x128xi1>, vector<512x128xf32>
    %get3A_137 = arith.constant 3 : index
    %get3A_138 = arith.constant 0 : index
    %get3A_139 = arith.constant 0 : index
    %get3A_140 = vector.load %arg1[%get3A_137, %get3A_138, %get3A_139] : memref<8x64x512xf32, #tpu.memory_space<vmem>>, vector<1x64x512xf32>
    %get3A_141 = vector.shape_cast %get3A_140 : vector<1x64x512xf32> to vector<64x512xf32>
    %dot_general3A_142 = arith.constant dense<0.000000e+00> : vector<64x128xf32>
    %dot_general3A_143 = tpu.matmul %get3A_141, %select_n3A_136, %dot_general3A_142 {dimension_numbers = #tpu.dot_dimension_numbers<[1], [0], [0], [1], [0, 0, 1, 1], [], []>, precision = #tpu.contract_precision<fp32>, transpose_lhs_hint = false} : vector<64x512xf32>, vector<512x128xf32>, vector<64x128xf32> -> vector<64x128xf32>
    %slice3A_144 = vector.extract_strided_slice %scan3A_9#2 {offsets = [3, 0], sizes = [1, 128], strides = [1, 1]} : vector<8x128xf32> to vector<1x128xf32>
    %squeeze3A_145 = vector.shape_cast %slice3A_144 : vector<1x128xf32> to vector<128xf32>
    %broadcast_in_dim3A_146 = vector.shape_cast %squeeze3A_145 : vector<128xf32> to vector<1x128xf32>
    %mul3A_147 = vector.broadcast %broadcast_in_dim3A_146 : vector<1x128xf32> to vector<64x128xf32>
    %mul3A_148 = arith.mulf %dot_general3A_143, %mul3A_147 : vector<64x128xf32>
    %swap3A_149 = arith.constant 3 : index
    %swap3A_150 = arith.constant 0 : index
    %swap3A_151 = arith.constant 0 : index
    %swap3A_152 = vector.load %arg4[%swap3A_149, %swap3A_150, %swap3A_151] : memref<8x64x128xf32, #tpu.memory_space<vmem>>, vector<1x64x128xf32>
    %swap3A_153 = vector.shape_cast %swap3A_152 : vector<1x64x128xf32> to vector<64x128xf32>
    %swap3A_154 = vector.shape_cast %mul3A_148 : vector<64x128xf32> to vector<1x64x128xf32>
    tpu.vector_store %arg4[%swap3A_149, %swap3A_150, %swap3A_151], %swap3A_154 {strides = array<i32>} : memref<8x64x128xf32, #tpu.memory_space<vmem>>, vector<1x64x128xf32>,
    %get3A_155 = arith.constant 3 : index
    %get3A_156 = arith.constant 0 : index
    %get3A_157 = arith.constant 0 : index
    %get3A_158 = vector.load %arg2[%get3A_155, %get3A_156, %get3A_157] : memref<8x8x512xf32, #tpu.memory_space<vmem>>, vector<1x8x512xf32>
    %get3A_159 = vector.shape_cast %get3A_158 : vector<1x8x512xf32> to vector<8x512xf32>
    %dot_general3A_160 = arith.constant dense<0.000000e+00> : vector<8x128xf32>
    %dot_general3A_161 = tpu.matmul %get3A_159, %select_n3A_136, %dot_general3A_160 {dimension_numbers = #tpu.dot_dimension_numbers<[1], [0], [0], [1], [0, 0, 1, 1], [], []>, precision = #tpu.contract_precision<fp32>, transpose_lhs_hint = false} : vector<8x512xf32>, vector<512x128xf32>, vector<8x128xf32> -> vector<8x128xf32>
    %swap3A_162 = arith.constant 3 : index
    %swap3A_163 = arith.constant 0 : index
    %swap3A_164 = arith.constant 0 : index
    %swap3A_165 = vector.load %arg3[%swap3A_162, %swap3A_163, %swap3A_164] : memref<8x8x128xf32, #tpu.memory_space<vmem>>, vector<1x8x128xf32>
    %swap3A_166 = vector.shape_cast %swap3A_165 : vector<1x8x128xf32> to vector<8x128xf32>
    %swap3A_167 = vector.shape_cast %dot_general3A_161 : vector<8x128xf32> to vector<1x8x128xf32>
    tpu.vector_store %arg3[%swap3A_162, %swap3A_163, %swap3A_164], %swap3A_167 {strides = array<i32>} : memref<8x8x128xf32, #tpu.memory_space<vmem>>, vector<1x8x128xf32>,
    %slice3A_168 = vector.extract_strided_slice %scan3A_9#1 {offsets = [4, 0], sizes = [1, 128], strides = [1, 1]} : vector<8x128xi32> to vector<1x128xi32>
    %squeeze3A_169 = vector.shape_cast %slice3A_168 : vector<1x128xi32> to vector<128xi32>
    %broadcast_in_dim3A_170 = vector.shape_cast %squeeze3A_169 : vector<128xi32> to vector<1x128xi32>
    %eq3A_171 = vector.broadcast %broadcast_in_dim3A_170 : vector<1x128xi32> to vector<512x128xi32>
    %eq3A_172 = arith.cmpi eq, %iota3A_11, %eq3A_171 : vector<512x128xi32>
    %jit3A_173 = arith.constant 1.000000e+00 : f32
    %jit3A_174 = arith.constant 0.000000e+00 : f32
    %broadcast_in_dim3A_175 = vector.broadcast %jit3A_173 : f32 to vector<512x128xf32>
    %broadcast_in_dim3A_176 = vector.broadcast %jit3A_174 : f32 to vector<512x128xf32>
    %select_n3A_177 = arith.select %eq3A_172, %broadcast_in_dim3A_175, %broadcast_in_dim3A_176 : vector<512x128xi1>, vector<512x128xf32>
    %get3A_178 = arith.constant 4 : index
    %get3A_179 = arith.constant 0 : index
    %get3A_180 = arith.constant 0 : index
    %get3A_181 = vector.load %arg1[%get3A_178, %get3A_179, %get3A_180] : memref<8x64x512xf32, #tpu.memory_space<vmem>>, vector<1x64x512xf32>
    %get3A_182 = vector.shape_cast %get3A_181 : vector<1x64x512xf32> to vector<64x512xf32>
    %dot_general3A_183 = arith.constant dense<0.000000e+00> : vector<64x128xf32>
    %dot_general3A_184 = tpu.matmul %get3A_182, %select_n3A_177, %dot_general3A_183 {dimension_numbers = #tpu.dot_dimension_numbers<[1], [0], [0], [1], [0, 0, 1, 1], [], []>, precision = #tpu.contract_precision<fp32>, transpose_lhs_hint = false} : vector<64x512xf32>, vector<512x128xf32>, vector<64x128xf32> -> vector<64x128xf32>
    %slice3A_185 = vector.extract_strided_slice %scan3A_9#2 {offsets = [4, 0], sizes = [1, 128], strides = [1, 1]} : vector<8x128xf32> to vector<1x128xf32>
    %squeeze3A_186 = vector.shape_cast %slice3A_185 : vector<1x128xf32> to vector<128xf32>
    %broadcast_in_dim3A_187 = vector.shape_cast %squeeze3A_186 : vector<128xf32> to vector<1x128xf32>
    %mul3A_188 = vector.broadcast %broadcast_in_dim3A_187 : vector<1x128xf32> to vector<64x128xf32>
    %mul3A_189 = arith.mulf %dot_general3A_184, %mul3A_188 : vector<64x128xf32>
    %swap3A_190 = arith.constant 4 : index
    %swap3A_191 = arith.constant 0 : index
    %swap3A_192 = arith.constant 0 : index
    %swap3A_193 = vector.load %arg4[%swap3A_190, %swap3A_191, %swap3A_192] : memref<8x64x128xf32, #tpu.memory_space<vmem>>, vector<1x64x128xf32>
    %swap3A_194 = vector.shape_cast %swap3A_193 : vector<1x64x128xf32> to vector<64x128xf32>
    %swap3A_195 = vector.shape_cast %mul3A_189 : vector<64x128xf32> to vector<1x64x128xf32>
    tpu.vector_store %arg4[%swap3A_190, %swap3A_191, %swap3A_192], %swap3A_195 {strides = array<i32>} : memref<8x64x128xf32, #tpu.memory_space<vmem>>, vector<1x64x128xf32>,
    %get3A_196 = arith.constant 4 : index
    %get3A_197 = arith.constant 0 : index
    %get3A_198 = arith.constant 0 : index
    %get3A_199 = vector.load %arg2[%get3A_196, %get3A_197, %get3A_198] : memref<8x8x512xf32, #tpu.memory_space<vmem>>, vector<1x8x512xf32>
    %get3A_200 = vector.shape_cast %get3A_199 : vector<1x8x512xf32> to vector<8x512xf32>
    %dot_general3A_201 = arith.constant dense<0.000000e+00> : vector<8x128xf32>
    %dot_general3A_202 = tpu.matmul %get3A_200, %select_n3A_177, %dot_general3A_201 {dimension_numbers = #tpu.dot_dimension_numbers<[1], [0], [0], [1], [0, 0, 1, 1], [], []>, precision = #tpu.contract_precision<fp32>, transpose_lhs_hint = false} : vector<8x512xf32>, vector<512x128xf32>, vector<8x128xf32> -> vector<8x128xf32>
    %swap3A_203 = arith.constant 4 : index
    %swap3A_204 = arith.constant 0 : index
    %swap3A_205 = arith.constant 0 : index
    %swap3A_206 = vector.load %arg3[%swap3A_203, %swap3A_204, %swap3A_205] : memref<8x8x128xf32, #tpu.memory_space<vmem>>, vector<1x8x128xf32>
    %swap3A_207 = vector.shape_cast %swap3A_206 : vector<1x8x128xf32> to vector<8x128xf32>
    %swap3A_208 = vector.shape_cast %dot_general3A_202 : vector<8x128xf32> to vector<1x8x128xf32>
    tpu.vector_store %arg3[%swap3A_203, %swap3A_204, %swap3A_205], %swap3A_208 {strides = array<i32>} : memref<8x8x128xf32, #tpu.memory_space<vmem>>, vector<1x8x128xf32>,
    %slice3A_209 = vector.extract_strided_slice %scan3A_9#1 {offsets = [5, 0], sizes = [1, 128], strides = [1, 1]} : vector<8x128xi32> to vector<1x128xi32>
    %squeeze3A_210 = vector.shape_cast %slice3A_209 : vector<1x128xi32> to vector<128xi32>
    %broadcast_in_dim3A_211 = vector.shape_cast %squeeze3A_210 : vector<128xi32> to vector<1x128xi32>
    %eq3A_212 = vector.broadcast %broadcast_in_dim3A_211 : vector<1x128xi32> to vector<512x128xi32>
    %eq3A_213 = arith.cmpi eq, %iota3A_11, %eq3A_212 : vector<512x128xi32>
    %jit3A_214 = arith.constant 1.000000e+00 : f32
    %jit3A_215 = arith.constant 0.000000e+00 : f32
    %broadcast_in_dim3A_216 = vector.broadcast %jit3A_214 : f32 to vector<512x128xf32>
    %broadcast_in_dim3A_217 = vector.broadcast %jit3A_215 : f32 to vector<512x128xf32>
    %select_n3A_218 = arith.select %eq3A_213, %broadcast_in_dim3A_216, %broadcast_in_dim3A_217 : vector<512x128xi1>, vector<512x128xf32>
    %get3A_219 = arith.constant 5 : index
    %get3A_220 = arith.constant 0 : index
    %get3A_221 = arith.constant 0 : index
    %get3A_222 = vector.load %arg1[%get3A_219, %get3A_220, %get3A_221] : memref<8x64x512xf32, #tpu.memory_space<vmem>>, vector<1x64x512xf32>
    %get3A_223 = vector.shape_cast %get3A_222 : vector<1x64x512xf32> to vector<64x512xf32>
    %dot_general3A_224 = arith.constant dense<0.000000e+00> : vector<64x128xf32>
    %dot_general3A_225 = tpu.matmul %get3A_223, %select_n3A_218, %dot_general3A_224 {dimension_numbers = #tpu.dot_dimension_numbers<[1], [0], [0], [1], [0, 0, 1, 1], [], []>, precision = #tpu.contract_precision<fp32>, transpose_lhs_hint = false} : vector<64x512xf32>, vector<512x128xf32>, vector<64x128xf32> -> vector<64x128xf32>
    %slice3A_226 = vector.extract_strided_slice %scan3A_9#2 {offsets = [5, 0], sizes = [1, 128], strides = [1, 1]} : vector<8x128xf32> to vector<1x128xf32>
    %squeeze3A_227 = vector.shape_cast %slice3A_226 : vector<1x128xf32> to vector<128xf32>
    %broadcast_in_dim3A_228 = vector.shape_cast %squeeze3A_227 : vector<128xf32> to vector<1x128xf32>
    %mul3A_229 = vector.broadcast %broadcast_in_dim3A_228 : vector<1x128xf32> to vector<64x128xf32>
    %mul3A_230 = arith.mulf %dot_general3A_225, %mul3A_229 : vector<64x128xf32>
    %swap3A_231 = arith.constant 5 : index
    %swap3A_232 = arith.constant 0 : index
    %swap3A_233 = arith.constant 0 : index
    %swap3A_234 = vector.load %arg4[%swap3A_231, %swap3A_232, %swap3A_233] : memref<8x64x128xf32, #tpu.memory_space<vmem>>, vector<1x64x128xf32>
    %swap3A_235 = vector.shape_cast %swap3A_234 : vector<1x64x128xf32> to vector<64x128xf32>
    %swap3A_236 = vector.shape_cast %mul3A_230 : vector<64x128xf32> to vector<1x64x128xf32>
    tpu.vector_store %arg4[%swap3A_231, %swap3A_232, %swap3A_233], %swap3A_236 {strides = array<i32>} : memref<8x64x128xf32, #tpu.memory_space<vmem>>, vector<1x64x128xf32>,
    %get3A_237 = arith.constant 5 : index
    %get3A_238 = arith.constant 0 : index
    %get3A_239 = arith.constant 0 : index
    %get3A_240 = vector.load %arg2[%get3A_237, %get3A_238, %get3A_239] : memref<8x8x512xf32, #tpu.memory_space<vmem>>, vector<1x8x512xf32>
    %get3A_241 = vector.shape_cast %get3A_240 : vector<1x8x512xf32> to vector<8x512xf32>
    %dot_general3A_242 = arith.constant dense<0.000000e+00> : vector<8x128xf32>
    %dot_general3A_243 = tpu.matmul %get3A_241, %select_n3A_218, %dot_general3A_242 {dimension_numbers = #tpu.dot_dimension_numbers<[1], [0], [0], [1], [0, 0, 1, 1], [], []>, precision = #tpu.contract_precision<fp32>, transpose_lhs_hint = false} : vector<8x512xf32>, vector<512x128xf32>, vector<8x128xf32> -> vector<8x128xf32>
    %swap3A_244 = arith.constant 5 : index
    %swap3A_245 = arith.constant 0 : index
    %swap3A_246 = arith.constant 0 : index
    %swap3A_247 = vector.load %arg3[%swap3A_244, %swap3A_245, %swap3A_246] : memref<8x8x128xf32, #tpu.memory_space<vmem>>, vector<1x8x128xf32>
    %swap3A_248 = vector.shape_cast %swap3A_247 : vector<1x8x128xf32> to vector<8x128xf32>
    %swap3A_249 = vector.shape_cast %dot_general3A_243 : vector<8x128xf32> to vector<1x8x128xf32>
    tpu.vector_store %arg3[%swap3A_244, %swap3A_245, %swap3A_246], %swap3A_249 {strides = array<i32>} : memref<8x8x128xf32, #tpu.memory_space<vmem>>, vector<1x8x128xf32>,
    %slice3A_250 = vector.extract_strided_slice %scan3A_9#1 {offsets = [6, 0], sizes = [1, 128], strides = [1, 1]} : vector<8x128xi32> to vector<1x128xi32>
    %squeeze3A_251 = vector.shape_cast %slice3A_250 : vector<1x128xi32> to vector<128xi32>
    %broadcast_in_dim3A_252 = vector.shape_cast %squeeze3A_251 : vector<128xi32> to vector<1x128xi32>
    %eq3A_253 = vector.broadcast %broadcast_in_dim3A_252 : vector<1x128xi32> to vector<512x128xi32>
    %eq3A_254 = arith.cmpi eq, %iota3A_11, %eq3A_253 : vector<512x128xi32>
    %jit3A_255 = arith.constant 1.000000e+00 : f32
    %jit3A_256 = arith.constant 0.000000e+00 : f32
    %broadcast_in_dim3A_257 = vector.broadcast %jit3A_255 : f32 to vector<512x128xf32>
    %broadcast_in_dim3A_258 = vector.broadcast %jit3A_256 : f32 to vector<512x128xf32>
    %select_n3A_259 = arith.select %eq3A_254, %broadcast_in_dim3A_257, %broadcast_in_dim3A_258 : vector<512x128xi1>, vector<512x128xf32>
    %get3A_260 = arith.constant 6 : index
    %get3A_261 = arith.constant 0 : index
    %get3A_262 = arith.constant 0 : index
    %get3A_263 = vector.load %arg1[%get3A_260, %get3A_261, %get3A_262] : memref<8x64x512xf32, #tpu.memory_space<vmem>>, vector<1x64x512xf32>
    %get3A_264 = vector.shape_cast %get3A_263 : vector<1x64x512xf32> to vector<64x512xf32>
    %dot_general3A_265 = arith.constant dense<0.000000e+00> : vector<64x128xf32>
    %dot_general3A_266 = tpu.matmul %get3A_264, %select_n3A_259, %dot_general3A_265 {dimension_numbers = #tpu.dot_dimension_numbers<[1], [0], [0], [1], [0, 0, 1, 1], [], []>, precision = #tpu.contract_precision<fp32>, transpose_lhs_hint = false} : vector<64x512xf32>, vector<512x128xf32>, vector<64x128xf32> -> vector<64x128xf32>
    %slice3A_267 = vector.extract_strided_slice %scan3A_9#2 {offsets = [6, 0], sizes = [1, 128], strides = [1, 1]} : vector<8x128xf32> to vector<1x128xf32>
    %squeeze3A_268 = vector.shape_cast %slice3A_267 : vector<1x128xf32> to vector<128xf32>
    %broadcast_in_dim3A_269 = vector.shape_cast %squeeze3A_268 : vector<128xf32> to vector<1x128xf32>
    %mul3A_270 = vector.broadcast %broadcast_in_dim3A_269 : vector<1x128xf32> to vector<64x128xf32>
    %mul3A_271 = arith.mulf %dot_general3A_266, %mul3A_270 : vector<64x128xf32>
    %swap3A_272 = arith.constant 6 : index
    %swap3A_273 = arith.constant 0 : index
    %swap3A_274 = arith.constant 0 : index
    %swap3A_275 = vector.load %arg4[%swap3A_272, %swap3A_273, %swap3A_274] : memref<8x64x128xf32, #tpu.memory_space<vmem>>, vector<1x64x128xf32>
    %swap3A_276 = vector.shape_cast %swap3A_275 : vector<1x64x128xf32> to vector<64x128xf32>
    %swap3A_277 = vector.shape_cast %mul3A_271 : vector<64x128xf32> to vector<1x64x128xf32>
    tpu.vector_store %arg4[%swap3A_272, %swap3A_273, %swap3A_274], %swap3A_277 {strides = array<i32>} : memref<8x64x128xf32, #tpu.memory_space<vmem>>, vector<1x64x128xf32>,
    %get3A_278 = arith.constant 6 : index
    %get3A_279 = arith.constant 0 : index
    %get3A_280 = arith.constant 0 : index
    %get3A_281 = vector.load %arg2[%get3A_278, %get3A_279, %get3A_280] : memref<8x8x512xf32, #tpu.memory_space<vmem>>, vector<1x8x512xf32>
    %get3A_282 = vector.shape_cast %get3A_281 : vector<1x8x512xf32> to vector<8x512xf32>
    %dot_general3A_283 = arith.constant dense<0.000000e+00> : vector<8x128xf32>
    %dot_general3A_284 = tpu.matmul %get3A_282, %select_n3A_259, %dot_general3A_283 {dimension_numbers = #tpu.dot_dimension_numbers<[1], [0], [0], [1], [0, 0, 1, 1], [], []>, precision = #tpu.contract_precision<fp32>, transpose_lhs_hint = false} : vector<8x512xf32>, vector<512x128xf32>, vector<8x128xf32> -> vector<8x128xf32>
    %swap3A_285 = arith.constant 6 : index
    %swap3A_286 = arith.constant 0 : index
    %swap3A_287 = arith.constant 0 : index
    %swap3A_288 = vector.load %arg3[%swap3A_285, %swap3A_286, %swap3A_287] : memref<8x8x128xf32, #tpu.memory_space<vmem>>, vector<1x8x128xf32>
    %swap3A_289 = vector.shape_cast %swap3A_288 : vector<1x8x128xf32> to vector<8x128xf32>
    %swap3A_290 = vector.shape_cast %dot_general3A_284 : vector<8x128xf32> to vector<1x8x128xf32>
    tpu.vector_store %arg3[%swap3A_285, %swap3A_286, %swap3A_287], %swap3A_290 {strides = array<i32>} : memref<8x8x128xf32, #tpu.memory_space<vmem>>, vector<1x8x128xf32>,
    %slice3A_291 = vector.extract_strided_slice %scan3A_9#1 {offsets = [7, 0], sizes = [1, 128], strides = [1, 1]} : vector<8x128xi32> to vector<1x128xi32>
    %squeeze3A_292 = vector.shape_cast %slice3A_291 : vector<1x128xi32> to vector<128xi32>
    %broadcast_in_dim3A_293 = vector.shape_cast %squeeze3A_292 : vector<128xi32> to vector<1x128xi32>
    %eq3A_294 = vector.broadcast %broadcast_in_dim3A_293 : vector<1x128xi32> to vector<512x128xi32>
    %eq3A_295 = arith.cmpi eq, %iota3A_11, %eq3A_294 : vector<512x128xi32>
    %jit3A_296 = arith.constant 1.000000e+00 : f32
    %jit3A_297 = arith.constant 0.000000e+00 : f32
    %broadcast_in_dim3A_298 = vector.broadcast %jit3A_296 : f32 to vector<512x128xf32>
    %broadcast_in_dim3A_299 = vector.broadcast %jit3A_297 : f32 to vector<512x128xf32>
    %select_n3A_300 = arith.select %eq3A_295, %broadcast_in_dim3A_298, %broadcast_in_dim3A_299 : vector<512x128xi1>, vector<512x128xf32>
    %get3A_301 = arith.constant 7 : index
    %get3A_302 = arith.constant 0 : index
    %get3A_303 = arith.constant 0 : index
    %get3A_304 = vector.load %arg1[%get3A_301, %get3A_302, %get3A_303] : memref<8x64x512xf32, #tpu.memory_space<vmem>>, vector<1x64x512xf32>
    %get3A_305 = vector.shape_cast %get3A_304 : vector<1x64x512xf32> to vector<64x512xf32>
    %dot_general3A_306 = arith.constant dense<0.000000e+00> : vector<64x128xf32>
    %dot_general3A_307 = tpu.matmul %get3A_305, %select_n3A_300, %dot_general3A_306 {dimension_numbers = #tpu.dot_dimension_numbers<[1], [0], [0], [1], [0, 0, 1, 1], [], []>, precision = #tpu.contract_precision<fp32>, transpose_lhs_hint = false} : vector<64x512xf32>, vector<512x128xf32>, vector<64x128xf32> -> vector<64x128xf32>
    %slice3A_308 = vector.extract_strided_slice %scan3A_9#2 {offsets = [7, 0], sizes = [1, 128], strides = [1, 1]} : vector<8x128xf32> to vector<1x128xf32>
    %squeeze3A_309 = vector.shape_cast %slice3A_308 : vector<1x128xf32> to vector<128xf32>
    %broadcast_in_dim3A_310 = vector.shape_cast %squeeze3A_309 : vector<128xf32> to vector<1x128xf32>
    %mul3A_311 = vector.broadcast %broadcast_in_dim3A_310 : vector<1x128xf32> to vector<64x128xf32>
    %mul3A_312 = arith.mulf %dot_general3A_307, %mul3A_311 : vector<64x128xf32>
    %swap3A_313 = arith.constant 7 : index
    %swap3A_314 = arith.constant 0 : index
    %swap3A_315 = arith.constant 0 : index
    %swap3A_316 = vector.load %arg4[%swap3A_313, %swap3A_314, %swap3A_315] : memref<8x64x128xf32, #tpu.memory_space<vmem>>, vector<1x64x128xf32>
    %swap3A_317 = vector.shape_cast %swap3A_316 : vector<1x64x128xf32> to vector<64x128xf32>
    %swap3A_318 = vector.shape_cast %mul3A_312 : vector<64x128xf32> to vector<1x64x128xf32>
    tpu.vector_store %arg4[%swap3A_313, %swap3A_314, %swap3A_315], %swap3A_318 {strides = array<i32>} : memref<8x64x128xf32, #tpu.memory_space<vmem>>, vector<1x64x128xf32>,
    %get3A_319 = arith.constant 7 : index
    %get3A_320 = arith.constant 0 : index
    %get3A_321 = arith.constant 0 : index
    %get3A_322 = vector.load %arg2[%get3A_319, %get3A_320, %get3A_321] : memref<8x8x512xf32, #tpu.memory_space<vmem>>, vector<1x8x512xf32>
    %get3A_323 = vector.shape_cast %get3A_322 : vector<1x8x512xf32> to vector<8x512xf32>
    %dot_general3A_324 = arith.constant dense<0.000000e+00> : vector<8x128xf32>
    %dot_general3A_325 = tpu.matmul %get3A_323, %select_n3A_300, %dot_general3A_324 {dimension_numbers = #tpu.dot_dimension_numbers<[1], [0], [0], [1], [0, 0, 1, 1], [], []>, precision = #tpu.contract_precision<fp32>, transpose_lhs_hint = false} : vector<8x512xf32>, vector<512x128xf32>, vector<8x128xf32> -> vector<8x128xf32>
    %swap3A_326 = arith.constant 7 : index
    %swap3A_327 = arith.constant 0 : index
    %swap3A_328 = arith.constant 0 : index
    %swap3A_329 = vector.load %arg3[%swap3A_326, %swap3A_327, %swap3A_328] : memref<8x8x128xf32, #tpu.memory_space<vmem>>, vector<1x8x128xf32>
    %swap3A_330 = vector.shape_cast %swap3A_329 : vector<1x8x128xf32> to vector<8x128xf32>
    %swap3A_331 = vector.shape_cast %dot_general3A_325 : vector<8x128xf32> to vector<1x8x128xf32>
    tpu.vector_store %arg3[%swap3A_326, %swap3A_327, %swap3A_328], %swap3A_331 {strides = array<i32>} : memref<8x8x128xf32, #tpu.memory_space<vmem>>, vector<1x8x128xf32>,
    return
  }
}

module attributes {stable_mosaic.version = 14 : i64} {
  func.func @_pool_kernel(%arg0: memref<8x128xf32, #tpu.memory_space<vmem>>, %arg1: memref<8x64x128xf32, #tpu.memory_space<vmem>>, %arg2: memref<8x8x128xf32, #tpu.memory_space<vmem>>, %arg3: memref<8x8x32xf32, #tpu.memory_space<vmem>>, %arg4: memref<8x64x32xf32, #tpu.memory_space<vmem>>) attributes {dimension_semantics = [], scalar_prefetch = 0 : i64, scratch_operands = 0 : i64, tpu.core_type = #tpu.core_type<tc>} {
    %get3A = arith.constant 0 : index
    %get3A_0 = arith.constant 0 : index
    %get3A_1 = vector.load %arg0[%get3A, %get3A_0] : memref<8x128xf32, #tpu.memory_space<vmem>>, vector<8x128xf32>
    %iota3A = tpu.iota {dimensions = array<i32: 1>} : vector<8x128xi32>
    %iota3A_2 = tpu.iota {dimensions = array<i32: 1>} : vector<8x32xi32>
    %broadcast_in_dim3A = arith.constant 0 : i32
    %broadcast_in_dim3A_3 = vector.broadcast %broadcast_in_dim3A : i32 to vector<8x32xi32>
    %broadcast_in_dim3A_4 = arith.constant 0.000000e+00 : f32
    %broadcast_in_dim3A_5 = vector.broadcast %broadcast_in_dim3A_4 : f32 to vector<8x32xf32>
    %scan3A = arith.constant 0 : i32
    %scan3A_6 = arith.constant 32 : i32
    %scan3A_7 = arith.addi %scan3A, %scan3A_6 : i32
    %scan3A_8 = arith.constant 1 : i32
    %scan3A_9:3 = scf.for %scan3A_332 = %scan3A to %scan3A_7 step %scan3A_8 iter_args(%scan3A_333 = %get3A_1, %scan3A_334 = %broadcast_in_dim3A_3, %scan3A_335 = %broadcast_in_dim3A_5) -> (vector<8x128xf32>, vector<8x32xi32>, vector<8x32xf32>)  : i32 {
      %reduce_max3A = arith.constant dense<0xFF800000> : vector<8xf32>
      %reduce_max3A_336 = vector.multi_reduction <maximumf>, %scan3A_333, %reduce_max3A [1] : vector<8x128xf32> to vector<8xf32>
      %broadcast_in_dim3A_337 = vector.shape_cast %reduce_max3A_336 : vector<8xf32> to vector<8x1xf32>
      %eq3A_338 = vector.broadcast %broadcast_in_dim3A_337 : vector<8x1xf32> to vector<8x128xf32>
      %eq3A_339 = arith.cmpf oeq, %scan3A_333, %eq3A_338 : vector<8x128xf32>
      %jit3A_340 = arith.constant 1073741824 : i32
      %broadcast_in_dim3A_341 = vector.broadcast %jit3A_340 : i32 to vector<8x128xi32>
      %select_n3A_342 = arith.select %eq3A_339, %iota3A, %broadcast_in_dim3A_341 : vector<8x128xi1>, vector<8x128xi32>
      %reduce_min3A = arith.constant dense<2147483647> : vector<8xi32>
      %reduce_min3A_343 = vector.multi_reduction <minsi>, %select_n3A_342, %reduce_min3A [1] : vector<8x128xi32> to vector<8xi32>
      %broadcast_in_dim3A_344 = vector.shape_cast %reduce_min3A_343 : vector<8xi32> to vector<8x1xi32>
      %eq3A_345 = vector.broadcast %scan3A_332 : i32 to vector<8x32xi32>
      %eq3A_346 = arith.cmpi eq, %iota3A_2, %eq3A_345 : vector<8x32xi32>
      %broadcast_in_dim3A_347 = vector.shape_cast %broadcast_in_dim3A_344 : vector<8x1xi32> to vector<8x1xi32>
      %broadcast_in_dim3A_348 = vector.broadcast %broadcast_in_dim3A_347 : vector<8x1xi32> to vector<8x32xi32>
      %select_n3A_349 = arith.select %eq3A_346, %broadcast_in_dim3A_348, %scan3A_334 : vector<8x32xi1>, vector<8x32xi32>
      %eq3A_350 = vector.broadcast %scan3A_332 : i32 to vector<8x32xi32>
      %eq3A_351 = arith.cmpi eq, %iota3A_2, %eq3A_350 : vector<8x32xi32>
      %broadcast_in_dim3A_352 = vector.shape_cast %broadcast_in_dim3A_337 : vector<8x1xf32> to vector<8x1xf32>
      %broadcast_in_dim3A_353 = vector.broadcast %broadcast_in_dim3A_352 : vector<8x1xf32> to vector<8x32xf32>
      %select_n3A_354 = arith.select %eq3A_351, %broadcast_in_dim3A_353, %scan3A_335 : vector<8x32xi1>, vector<8x32xf32>
      %eq3A_355 = vector.broadcast %broadcast_in_dim3A_344 : vector<8x1xi32> to vector<8x128xi32>
      %eq3A_356 = arith.cmpi eq, %iota3A, %eq3A_355 : vector<8x128xi32>
      %jit3A_357 = arith.constant -3.000000e+38 : f32
      %broadcast_in_dim3A_358 = vector.broadcast %jit3A_357 : f32 to vector<8x128xf32>
      %select_n3A_359 = arith.select %eq3A_356, %broadcast_in_dim3A_358, %scan3A_333 : vector<8x128xi1>, vector<8x128xf32>
      scf.yield %select_n3A_359, %select_n3A_349, %select_n3A_354 : vector<8x128xf32>, vector<8x32xi32>, vector<8x32xf32>
    }
    %scan3A_10 = arith.constant 32 : i32
    %iota3A_11 = tpu.iota {dimensions = array<i32: 0>} : vector<128x32xi32>
    %slice3A = vector.extract_strided_slice %scan3A_9#1 {offsets = [0, 0], sizes = [1, 32], strides = [1, 1]} : vector<8x32xi32> to vector<1x32xi32>
    %squeeze3A = vector.shape_cast %slice3A : vector<1x32xi32> to vector<32xi32>
    %broadcast_in_dim3A_12 = vector.shape_cast %squeeze3A : vector<32xi32> to vector<1x32xi32>
    %eq3A = vector.broadcast %broadcast_in_dim3A_12 : vector<1x32xi32> to vector<128x32xi32>
    %eq3A_13 = arith.cmpi eq, %iota3A_11, %eq3A : vector<128x32xi32>
    %jit3A = arith.constant 1.000000e+00 : f32
    %jit3A_14 = arith.constant 0.000000e+00 : f32
    %broadcast_in_dim3A_15 = vector.broadcast %jit3A : f32 to vector<128x32xf32>
    %broadcast_in_dim3A_16 = vector.broadcast %jit3A_14 : f32 to vector<128x32xf32>
    %select_n3A = arith.select %eq3A_13, %broadcast_in_dim3A_15, %broadcast_in_dim3A_16 : vector<128x32xi1>, vector<128x32xf32>
    %get3A_17 = arith.constant 0 : index
    %get3A_18 = arith.constant 0 : index
    %get3A_19 = arith.constant 0 : index
    %get3A_20 = vector.load %arg1[%get3A_17, %get3A_18, %get3A_19] : memref<8x64x128xf32, #tpu.memory_space<vmem>>, vector<1x64x128xf32>
    %get3A_21 = vector.shape_cast %get3A_20 : vector<1x64x128xf32> to vector<64x128xf32>
    %dot_general3A = arith.constant dense<0.000000e+00> : vector<64x32xf32>
    %dot_general3A_22 = tpu.matmul %get3A_21, %select_n3A, %dot_general3A {dimension_numbers = #tpu.dot_dimension_numbers<[1], [0], [0], [1], [0, 0, 1, 1], [], []>, precision = #tpu.contract_precision<fp32>, transpose_lhs_hint = false} : vector<64x128xf32>, vector<128x32xf32>, vector<64x32xf32> -> vector<64x32xf32>
    %slice3A_23 = vector.extract_strided_slice %scan3A_9#2 {offsets = [0, 0], sizes = [1, 32], strides = [1, 1]} : vector<8x32xf32> to vector<1x32xf32>
    %squeeze3A_24 = vector.shape_cast %slice3A_23 : vector<1x32xf32> to vector<32xf32>
    %broadcast_in_dim3A_25 = vector.shape_cast %squeeze3A_24 : vector<32xf32> to vector<1x32xf32>
    %mul3A = vector.broadcast %broadcast_in_dim3A_25 : vector<1x32xf32> to vector<64x32xf32>
    %mul3A_26 = arith.mulf %dot_general3A_22, %mul3A : vector<64x32xf32>
    %swap3A = arith.constant 0 : index
    %swap3A_27 = arith.constant 0 : index
    %swap3A_28 = arith.constant 0 : index
    %swap3A_29 = vector.load %arg4[%swap3A, %swap3A_27, %swap3A_28] : memref<8x64x32xf32, #tpu.memory_space<vmem>>, vector<1x64x32xf32>
    %swap3A_30 = vector.shape_cast %swap3A_29 : vector<1x64x32xf32> to vector<64x32xf32>
    %swap3A_31 = vector.shape_cast %mul3A_26 : vector<64x32xf32> to vector<1x64x32xf32>
    tpu.vector_store %arg4[%swap3A, %swap3A_27, %swap3A_28], %swap3A_31 {strides = array<i32>} : memref<8x64x32xf32, #tpu.memory_space<vmem>>, vector<1x64x32xf32>,
    %get3A_32 = arith.constant 0 : index
    %get3A_33 = arith.constant 0 : index
    %get3A_34 = arith.constant 0 : index
    %get3A_35 = vector.load %arg2[%get3A_32, %get3A_33, %get3A_34] : memref<8x8x128xf32, #tpu.memory_space<vmem>>, vector<1x8x128xf32>
    %get3A_36 = vector.shape_cast %get3A_35 : vector<1x8x128xf32> to vector<8x128xf32>
    %dot_general3A_37 = arith.constant dense<0.000000e+00> : vector<8x32xf32>
    %dot_general3A_38 = tpu.matmul %get3A_36, %select_n3A, %dot_general3A_37 {dimension_numbers = #tpu.dot_dimension_numbers<[1], [0], [0], [1], [0, 0, 1, 1], [], []>, precision = #tpu.contract_precision<fp32>, transpose_lhs_hint = false} : vector<8x128xf32>, vector<128x32xf32>, vector<8x32xf32> -> vector<8x32xf32>
    %swap3A_39 = arith.constant 0 : index
    %swap3A_40 = arith.constant 0 : index
    %swap3A_41 = arith.constant 0 : index
    %swap3A_42 = vector.load %arg3[%swap3A_39, %swap3A_40, %swap3A_41] : memref<8x8x32xf32, #tpu.memory_space<vmem>>, vector<1x8x32xf32>
    %swap3A_43 = vector.shape_cast %swap3A_42 : vector<1x8x32xf32> to vector<8x32xf32>
    %swap3A_44 = vector.shape_cast %dot_general3A_38 : vector<8x32xf32> to vector<1x8x32xf32>
    tpu.vector_store %arg3[%swap3A_39, %swap3A_40, %swap3A_41], %swap3A_44 {strides = array<i32>} : memref<8x8x32xf32, #tpu.memory_space<vmem>>, vector<1x8x32xf32>,
    %slice3A_45 = vector.extract_strided_slice %scan3A_9#1 {offsets = [1, 0], sizes = [1, 32], strides = [1, 1]} : vector<8x32xi32> to vector<1x32xi32>
    %squeeze3A_46 = vector.shape_cast %slice3A_45 : vector<1x32xi32> to vector<32xi32>
    %broadcast_in_dim3A_47 = vector.shape_cast %squeeze3A_46 : vector<32xi32> to vector<1x32xi32>
    %eq3A_48 = vector.broadcast %broadcast_in_dim3A_47 : vector<1x32xi32> to vector<128x32xi32>
    %eq3A_49 = arith.cmpi eq, %iota3A_11, %eq3A_48 : vector<128x32xi32>
    %jit3A_50 = arith.constant 1.000000e+00 : f32
    %jit3A_51 = arith.constant 0.000000e+00 : f32
    %broadcast_in_dim3A_52 = vector.broadcast %jit3A_50 : f32 to vector<128x32xf32>
    %broadcast_in_dim3A_53 = vector.broadcast %jit3A_51 : f32 to vector<128x32xf32>
    %select_n3A_54 = arith.select %eq3A_49, %broadcast_in_dim3A_52, %broadcast_in_dim3A_53 : vector<128x32xi1>, vector<128x32xf32>
    %get3A_55 = arith.constant 1 : index
    %get3A_56 = arith.constant 0 : index
    %get3A_57 = arith.constant 0 : index
    %get3A_58 = vector.load %arg1[%get3A_55, %get3A_56, %get3A_57] : memref<8x64x128xf32, #tpu.memory_space<vmem>>, vector<1x64x128xf32>
    %get3A_59 = vector.shape_cast %get3A_58 : vector<1x64x128xf32> to vector<64x128xf32>
    %dot_general3A_60 = arith.constant dense<0.000000e+00> : vector<64x32xf32>
    %dot_general3A_61 = tpu.matmul %get3A_59, %select_n3A_54, %dot_general3A_60 {dimension_numbers = #tpu.dot_dimension_numbers<[1], [0], [0], [1], [0, 0, 1, 1], [], []>, precision = #tpu.contract_precision<fp32>, transpose_lhs_hint = false} : vector<64x128xf32>, vector<128x32xf32>, vector<64x32xf32> -> vector<64x32xf32>
    %slice3A_62 = vector.extract_strided_slice %scan3A_9#2 {offsets = [1, 0], sizes = [1, 32], strides = [1, 1]} : vector<8x32xf32> to vector<1x32xf32>
    %squeeze3A_63 = vector.shape_cast %slice3A_62 : vector<1x32xf32> to vector<32xf32>
    %broadcast_in_dim3A_64 = vector.shape_cast %squeeze3A_63 : vector<32xf32> to vector<1x32xf32>
    %mul3A_65 = vector.broadcast %broadcast_in_dim3A_64 : vector<1x32xf32> to vector<64x32xf32>
    %mul3A_66 = arith.mulf %dot_general3A_61, %mul3A_65 : vector<64x32xf32>
    %swap3A_67 = arith.constant 1 : index
    %swap3A_68 = arith.constant 0 : index
    %swap3A_69 = arith.constant 0 : index
    %swap3A_70 = vector.load %arg4[%swap3A_67, %swap3A_68, %swap3A_69] : memref<8x64x32xf32, #tpu.memory_space<vmem>>, vector<1x64x32xf32>
    %swap3A_71 = vector.shape_cast %swap3A_70 : vector<1x64x32xf32> to vector<64x32xf32>
    %swap3A_72 = vector.shape_cast %mul3A_66 : vector<64x32xf32> to vector<1x64x32xf32>
    tpu.vector_store %arg4[%swap3A_67, %swap3A_68, %swap3A_69], %swap3A_72 {strides = array<i32>} : memref<8x64x32xf32, #tpu.memory_space<vmem>>, vector<1x64x32xf32>,
    %get3A_73 = arith.constant 1 : index
    %get3A_74 = arith.constant 0 : index
    %get3A_75 = arith.constant 0 : index
    %get3A_76 = vector.load %arg2[%get3A_73, %get3A_74, %get3A_75] : memref<8x8x128xf32, #tpu.memory_space<vmem>>, vector<1x8x128xf32>
    %get3A_77 = vector.shape_cast %get3A_76 : vector<1x8x128xf32> to vector<8x128xf32>
    %dot_general3A_78 = arith.constant dense<0.000000e+00> : vector<8x32xf32>
    %dot_general3A_79 = tpu.matmul %get3A_77, %select_n3A_54, %dot_general3A_78 {dimension_numbers = #tpu.dot_dimension_numbers<[1], [0], [0], [1], [0, 0, 1, 1], [], []>, precision = #tpu.contract_precision<fp32>, transpose_lhs_hint = false} : vector<8x128xf32>, vector<128x32xf32>, vector<8x32xf32> -> vector<8x32xf32>
    %swap3A_80 = arith.constant 1 : index
    %swap3A_81 = arith.constant 0 : index
    %swap3A_82 = arith.constant 0 : index
    %swap3A_83 = vector.load %arg3[%swap3A_80, %swap3A_81, %swap3A_82] : memref<8x8x32xf32, #tpu.memory_space<vmem>>, vector<1x8x32xf32>
    %swap3A_84 = vector.shape_cast %swap3A_83 : vector<1x8x32xf32> to vector<8x32xf32>
    %swap3A_85 = vector.shape_cast %dot_general3A_79 : vector<8x32xf32> to vector<1x8x32xf32>
    tpu.vector_store %arg3[%swap3A_80, %swap3A_81, %swap3A_82], %swap3A_85 {strides = array<i32>} : memref<8x8x32xf32, #tpu.memory_space<vmem>>, vector<1x8x32xf32>,
    %slice3A_86 = vector.extract_strided_slice %scan3A_9#1 {offsets = [2, 0], sizes = [1, 32], strides = [1, 1]} : vector<8x32xi32> to vector<1x32xi32>
    %squeeze3A_87 = vector.shape_cast %slice3A_86 : vector<1x32xi32> to vector<32xi32>
    %broadcast_in_dim3A_88 = vector.shape_cast %squeeze3A_87 : vector<32xi32> to vector<1x32xi32>
    %eq3A_89 = vector.broadcast %broadcast_in_dim3A_88 : vector<1x32xi32> to vector<128x32xi32>
    %eq3A_90 = arith.cmpi eq, %iota3A_11, %eq3A_89 : vector<128x32xi32>
    %jit3A_91 = arith.constant 1.000000e+00 : f32
    %jit3A_92 = arith.constant 0.000000e+00 : f32
    %broadcast_in_dim3A_93 = vector.broadcast %jit3A_91 : f32 to vector<128x32xf32>
    %broadcast_in_dim3A_94 = vector.broadcast %jit3A_92 : f32 to vector<128x32xf32>
    %select_n3A_95 = arith.select %eq3A_90, %broadcast_in_dim3A_93, %broadcast_in_dim3A_94 : vector<128x32xi1>, vector<128x32xf32>
    %get3A_96 = arith.constant 2 : index
    %get3A_97 = arith.constant 0 : index
    %get3A_98 = arith.constant 0 : index
    %get3A_99 = vector.load %arg1[%get3A_96, %get3A_97, %get3A_98] : memref<8x64x128xf32, #tpu.memory_space<vmem>>, vector<1x64x128xf32>
    %get3A_100 = vector.shape_cast %get3A_99 : vector<1x64x128xf32> to vector<64x128xf32>
    %dot_general3A_101 = arith.constant dense<0.000000e+00> : vector<64x32xf32>
    %dot_general3A_102 = tpu.matmul %get3A_100, %select_n3A_95, %dot_general3A_101 {dimension_numbers = #tpu.dot_dimension_numbers<[1], [0], [0], [1], [0, 0, 1, 1], [], []>, precision = #tpu.contract_precision<fp32>, transpose_lhs_hint = false} : vector<64x128xf32>, vector<128x32xf32>, vector<64x32xf32> -> vector<64x32xf32>
    %slice3A_103 = vector.extract_strided_slice %scan3A_9#2 {offsets = [2, 0], sizes = [1, 32], strides = [1, 1]} : vector<8x32xf32> to vector<1x32xf32>
    %squeeze3A_104 = vector.shape_cast %slice3A_103 : vector<1x32xf32> to vector<32xf32>
    %broadcast_in_dim3A_105 = vector.shape_cast %squeeze3A_104 : vector<32xf32> to vector<1x32xf32>
    %mul3A_106 = vector.broadcast %broadcast_in_dim3A_105 : vector<1x32xf32> to vector<64x32xf32>
    %mul3A_107 = arith.mulf %dot_general3A_102, %mul3A_106 : vector<64x32xf32>
    %swap3A_108 = arith.constant 2 : index
    %swap3A_109 = arith.constant 0 : index
    %swap3A_110 = arith.constant 0 : index
    %swap3A_111 = vector.load %arg4[%swap3A_108, %swap3A_109, %swap3A_110] : memref<8x64x32xf32, #tpu.memory_space<vmem>>, vector<1x64x32xf32>
    %swap3A_112 = vector.shape_cast %swap3A_111 : vector<1x64x32xf32> to vector<64x32xf32>
    %swap3A_113 = vector.shape_cast %mul3A_107 : vector<64x32xf32> to vector<1x64x32xf32>
    tpu.vector_store %arg4[%swap3A_108, %swap3A_109, %swap3A_110], %swap3A_113 {strides = array<i32>} : memref<8x64x32xf32, #tpu.memory_space<vmem>>, vector<1x64x32xf32>,
    %get3A_114 = arith.constant 2 : index
    %get3A_115 = arith.constant 0 : index
    %get3A_116 = arith.constant 0 : index
    %get3A_117 = vector.load %arg2[%get3A_114, %get3A_115, %get3A_116] : memref<8x8x128xf32, #tpu.memory_space<vmem>>, vector<1x8x128xf32>
    %get3A_118 = vector.shape_cast %get3A_117 : vector<1x8x128xf32> to vector<8x128xf32>
    %dot_general3A_119 = arith.constant dense<0.000000e+00> : vector<8x32xf32>
    %dot_general3A_120 = tpu.matmul %get3A_118, %select_n3A_95, %dot_general3A_119 {dimension_numbers = #tpu.dot_dimension_numbers<[1], [0], [0], [1], [0, 0, 1, 1], [], []>, precision = #tpu.contract_precision<fp32>, transpose_lhs_hint = false} : vector<8x128xf32>, vector<128x32xf32>, vector<8x32xf32> -> vector<8x32xf32>
    %swap3A_121 = arith.constant 2 : index
    %swap3A_122 = arith.constant 0 : index
    %swap3A_123 = arith.constant 0 : index
    %swap3A_124 = vector.load %arg3[%swap3A_121, %swap3A_122, %swap3A_123] : memref<8x8x32xf32, #tpu.memory_space<vmem>>, vector<1x8x32xf32>
    %swap3A_125 = vector.shape_cast %swap3A_124 : vector<1x8x32xf32> to vector<8x32xf32>
    %swap3A_126 = vector.shape_cast %dot_general3A_120 : vector<8x32xf32> to vector<1x8x32xf32>
    tpu.vector_store %arg3[%swap3A_121, %swap3A_122, %swap3A_123], %swap3A_126 {strides = array<i32>} : memref<8x8x32xf32, #tpu.memory_space<vmem>>, vector<1x8x32xf32>,
    %slice3A_127 = vector.extract_strided_slice %scan3A_9#1 {offsets = [3, 0], sizes = [1, 32], strides = [1, 1]} : vector<8x32xi32> to vector<1x32xi32>
    %squeeze3A_128 = vector.shape_cast %slice3A_127 : vector<1x32xi32> to vector<32xi32>
    %broadcast_in_dim3A_129 = vector.shape_cast %squeeze3A_128 : vector<32xi32> to vector<1x32xi32>
    %eq3A_130 = vector.broadcast %broadcast_in_dim3A_129 : vector<1x32xi32> to vector<128x32xi32>
    %eq3A_131 = arith.cmpi eq, %iota3A_11, %eq3A_130 : vector<128x32xi32>
    %jit3A_132 = arith.constant 1.000000e+00 : f32
    %jit3A_133 = arith.constant 0.000000e+00 : f32
    %broadcast_in_dim3A_134 = vector.broadcast %jit3A_132 : f32 to vector<128x32xf32>
    %broadcast_in_dim3A_135 = vector.broadcast %jit3A_133 : f32 to vector<128x32xf32>
    %select_n3A_136 = arith.select %eq3A_131, %broadcast_in_dim3A_134, %broadcast_in_dim3A_135 : vector<128x32xi1>, vector<128x32xf32>
    %get3A_137 = arith.constant 3 : index
    %get3A_138 = arith.constant 0 : index
    %get3A_139 = arith.constant 0 : index
    %get3A_140 = vector.load %arg1[%get3A_137, %get3A_138, %get3A_139] : memref<8x64x128xf32, #tpu.memory_space<vmem>>, vector<1x64x128xf32>
    %get3A_141 = vector.shape_cast %get3A_140 : vector<1x64x128xf32> to vector<64x128xf32>
    %dot_general3A_142 = arith.constant dense<0.000000e+00> : vector<64x32xf32>
    %dot_general3A_143 = tpu.matmul %get3A_141, %select_n3A_136, %dot_general3A_142 {dimension_numbers = #tpu.dot_dimension_numbers<[1], [0], [0], [1], [0, 0, 1, 1], [], []>, precision = #tpu.contract_precision<fp32>, transpose_lhs_hint = false} : vector<64x128xf32>, vector<128x32xf32>, vector<64x32xf32> -> vector<64x32xf32>
    %slice3A_144 = vector.extract_strided_slice %scan3A_9#2 {offsets = [3, 0], sizes = [1, 32], strides = [1, 1]} : vector<8x32xf32> to vector<1x32xf32>
    %squeeze3A_145 = vector.shape_cast %slice3A_144 : vector<1x32xf32> to vector<32xf32>
    %broadcast_in_dim3A_146 = vector.shape_cast %squeeze3A_145 : vector<32xf32> to vector<1x32xf32>
    %mul3A_147 = vector.broadcast %broadcast_in_dim3A_146 : vector<1x32xf32> to vector<64x32xf32>
    %mul3A_148 = arith.mulf %dot_general3A_143, %mul3A_147 : vector<64x32xf32>
    %swap3A_149 = arith.constant 3 : index
    %swap3A_150 = arith.constant 0 : index
    %swap3A_151 = arith.constant 0 : index
    %swap3A_152 = vector.load %arg4[%swap3A_149, %swap3A_150, %swap3A_151] : memref<8x64x32xf32, #tpu.memory_space<vmem>>, vector<1x64x32xf32>
    %swap3A_153 = vector.shape_cast %swap3A_152 : vector<1x64x32xf32> to vector<64x32xf32>
    %swap3A_154 = vector.shape_cast %mul3A_148 : vector<64x32xf32> to vector<1x64x32xf32>
    tpu.vector_store %arg4[%swap3A_149, %swap3A_150, %swap3A_151], %swap3A_154 {strides = array<i32>} : memref<8x64x32xf32, #tpu.memory_space<vmem>>, vector<1x64x32xf32>,
    %get3A_155 = arith.constant 3 : index
    %get3A_156 = arith.constant 0 : index
    %get3A_157 = arith.constant 0 : index
    %get3A_158 = vector.load %arg2[%get3A_155, %get3A_156, %get3A_157] : memref<8x8x128xf32, #tpu.memory_space<vmem>>, vector<1x8x128xf32>
    %get3A_159 = vector.shape_cast %get3A_158 : vector<1x8x128xf32> to vector<8x128xf32>
    %dot_general3A_160 = arith.constant dense<0.000000e+00> : vector<8x32xf32>
    %dot_general3A_161 = tpu.matmul %get3A_159, %select_n3A_136, %dot_general3A_160 {dimension_numbers = #tpu.dot_dimension_numbers<[1], [0], [0], [1], [0, 0, 1, 1], [], []>, precision = #tpu.contract_precision<fp32>, transpose_lhs_hint = false} : vector<8x128xf32>, vector<128x32xf32>, vector<8x32xf32> -> vector<8x32xf32>
    %swap3A_162 = arith.constant 3 : index
    %swap3A_163 = arith.constant 0 : index
    %swap3A_164 = arith.constant 0 : index
    %swap3A_165 = vector.load %arg3[%swap3A_162, %swap3A_163, %swap3A_164] : memref<8x8x32xf32, #tpu.memory_space<vmem>>, vector<1x8x32xf32>
    %swap3A_166 = vector.shape_cast %swap3A_165 : vector<1x8x32xf32> to vector<8x32xf32>
    %swap3A_167 = vector.shape_cast %dot_general3A_161 : vector<8x32xf32> to vector<1x8x32xf32>
    tpu.vector_store %arg3[%swap3A_162, %swap3A_163, %swap3A_164], %swap3A_167 {strides = array<i32>} : memref<8x8x32xf32, #tpu.memory_space<vmem>>, vector<1x8x32xf32>,
    %slice3A_168 = vector.extract_strided_slice %scan3A_9#1 {offsets = [4, 0], sizes = [1, 32], strides = [1, 1]} : vector<8x32xi32> to vector<1x32xi32>
    %squeeze3A_169 = vector.shape_cast %slice3A_168 : vector<1x32xi32> to vector<32xi32>
    %broadcast_in_dim3A_170 = vector.shape_cast %squeeze3A_169 : vector<32xi32> to vector<1x32xi32>
    %eq3A_171 = vector.broadcast %broadcast_in_dim3A_170 : vector<1x32xi32> to vector<128x32xi32>
    %eq3A_172 = arith.cmpi eq, %iota3A_11, %eq3A_171 : vector<128x32xi32>
    %jit3A_173 = arith.constant 1.000000e+00 : f32
    %jit3A_174 = arith.constant 0.000000e+00 : f32
    %broadcast_in_dim3A_175 = vector.broadcast %jit3A_173 : f32 to vector<128x32xf32>
    %broadcast_in_dim3A_176 = vector.broadcast %jit3A_174 : f32 to vector<128x32xf32>
    %select_n3A_177 = arith.select %eq3A_172, %broadcast_in_dim3A_175, %broadcast_in_dim3A_176 : vector<128x32xi1>, vector<128x32xf32>
    %get3A_178 = arith.constant 4 : index
    %get3A_179 = arith.constant 0 : index
    %get3A_180 = arith.constant 0 : index
    %get3A_181 = vector.load %arg1[%get3A_178, %get3A_179, %get3A_180] : memref<8x64x128xf32, #tpu.memory_space<vmem>>, vector<1x64x128xf32>
    %get3A_182 = vector.shape_cast %get3A_181 : vector<1x64x128xf32> to vector<64x128xf32>
    %dot_general3A_183 = arith.constant dense<0.000000e+00> : vector<64x32xf32>
    %dot_general3A_184 = tpu.matmul %get3A_182, %select_n3A_177, %dot_general3A_183 {dimension_numbers = #tpu.dot_dimension_numbers<[1], [0], [0], [1], [0, 0, 1, 1], [], []>, precision = #tpu.contract_precision<fp32>, transpose_lhs_hint = false} : vector<64x128xf32>, vector<128x32xf32>, vector<64x32xf32> -> vector<64x32xf32>
    %slice3A_185 = vector.extract_strided_slice %scan3A_9#2 {offsets = [4, 0], sizes = [1, 32], strides = [1, 1]} : vector<8x32xf32> to vector<1x32xf32>
    %squeeze3A_186 = vector.shape_cast %slice3A_185 : vector<1x32xf32> to vector<32xf32>
    %broadcast_in_dim3A_187 = vector.shape_cast %squeeze3A_186 : vector<32xf32> to vector<1x32xf32>
    %mul3A_188 = vector.broadcast %broadcast_in_dim3A_187 : vector<1x32xf32> to vector<64x32xf32>
    %mul3A_189 = arith.mulf %dot_general3A_184, %mul3A_188 : vector<64x32xf32>
    %swap3A_190 = arith.constant 4 : index
    %swap3A_191 = arith.constant 0 : index
    %swap3A_192 = arith.constant 0 : index
    %swap3A_193 = vector.load %arg4[%swap3A_190, %swap3A_191, %swap3A_192] : memref<8x64x32xf32, #tpu.memory_space<vmem>>, vector<1x64x32xf32>
    %swap3A_194 = vector.shape_cast %swap3A_193 : vector<1x64x32xf32> to vector<64x32xf32>
    %swap3A_195 = vector.shape_cast %mul3A_189 : vector<64x32xf32> to vector<1x64x32xf32>
    tpu.vector_store %arg4[%swap3A_190, %swap3A_191, %swap3A_192], %swap3A_195 {strides = array<i32>} : memref<8x64x32xf32, #tpu.memory_space<vmem>>, vector<1x64x32xf32>,
    %get3A_196 = arith.constant 4 : index
    %get3A_197 = arith.constant 0 : index
    %get3A_198 = arith.constant 0 : index
    %get3A_199 = vector.load %arg2[%get3A_196, %get3A_197, %get3A_198] : memref<8x8x128xf32, #tpu.memory_space<vmem>>, vector<1x8x128xf32>
    %get3A_200 = vector.shape_cast %get3A_199 : vector<1x8x128xf32> to vector<8x128xf32>
    %dot_general3A_201 = arith.constant dense<0.000000e+00> : vector<8x32xf32>
    %dot_general3A_202 = tpu.matmul %get3A_200, %select_n3A_177, %dot_general3A_201 {dimension_numbers = #tpu.dot_dimension_numbers<[1], [0], [0], [1], [0, 0, 1, 1], [], []>, precision = #tpu.contract_precision<fp32>, transpose_lhs_hint = false} : vector<8x128xf32>, vector<128x32xf32>, vector<8x32xf32> -> vector<8x32xf32>
    %swap3A_203 = arith.constant 4 : index
    %swap3A_204 = arith.constant 0 : index
    %swap3A_205 = arith.constant 0 : index
    %swap3A_206 = vector.load %arg3[%swap3A_203, %swap3A_204, %swap3A_205] : memref<8x8x32xf32, #tpu.memory_space<vmem>>, vector<1x8x32xf32>
    %swap3A_207 = vector.shape_cast %swap3A_206 : vector<1x8x32xf32> to vector<8x32xf32>
    %swap3A_208 = vector.shape_cast %dot_general3A_202 : vector<8x32xf32> to vector<1x8x32xf32>
    tpu.vector_store %arg3[%swap3A_203, %swap3A_204, %swap3A_205], %swap3A_208 {strides = array<i32>} : memref<8x8x32xf32, #tpu.memory_space<vmem>>, vector<1x8x32xf32>,
    %slice3A_209 = vector.extract_strided_slice %scan3A_9#1 {offsets = [5, 0], sizes = [1, 32], strides = [1, 1]} : vector<8x32xi32> to vector<1x32xi32>
    %squeeze3A_210 = vector.shape_cast %slice3A_209 : vector<1x32xi32> to vector<32xi32>
    %broadcast_in_dim3A_211 = vector.shape_cast %squeeze3A_210 : vector<32xi32> to vector<1x32xi32>
    %eq3A_212 = vector.broadcast %broadcast_in_dim3A_211 : vector<1x32xi32> to vector<128x32xi32>
    %eq3A_213 = arith.cmpi eq, %iota3A_11, %eq3A_212 : vector<128x32xi32>
    %jit3A_214 = arith.constant 1.000000e+00 : f32
    %jit3A_215 = arith.constant 0.000000e+00 : f32
    %broadcast_in_dim3A_216 = vector.broadcast %jit3A_214 : f32 to vector<128x32xf32>
    %broadcast_in_dim3A_217 = vector.broadcast %jit3A_215 : f32 to vector<128x32xf32>
    %select_n3A_218 = arith.select %eq3A_213, %broadcast_in_dim3A_216, %broadcast_in_dim3A_217 : vector<128x32xi1>, vector<128x32xf32>
    %get3A_219 = arith.constant 5 : index
    %get3A_220 = arith.constant 0 : index
    %get3A_221 = arith.constant 0 : index
    %get3A_222 = vector.load %arg1[%get3A_219, %get3A_220, %get3A_221] : memref<8x64x128xf32, #tpu.memory_space<vmem>>, vector<1x64x128xf32>
    %get3A_223 = vector.shape_cast %get3A_222 : vector<1x64x128xf32> to vector<64x128xf32>
    %dot_general3A_224 = arith.constant dense<0.000000e+00> : vector<64x32xf32>
    %dot_general3A_225 = tpu.matmul %get3A_223, %select_n3A_218, %dot_general3A_224 {dimension_numbers = #tpu.dot_dimension_numbers<[1], [0], [0], [1], [0, 0, 1, 1], [], []>, precision = #tpu.contract_precision<fp32>, transpose_lhs_hint = false} : vector<64x128xf32>, vector<128x32xf32>, vector<64x32xf32> -> vector<64x32xf32>
    %slice3A_226 = vector.extract_strided_slice %scan3A_9#2 {offsets = [5, 0], sizes = [1, 32], strides = [1, 1]} : vector<8x32xf32> to vector<1x32xf32>
    %squeeze3A_227 = vector.shape_cast %slice3A_226 : vector<1x32xf32> to vector<32xf32>
    %broadcast_in_dim3A_228 = vector.shape_cast %squeeze3A_227 : vector<32xf32> to vector<1x32xf32>
    %mul3A_229 = vector.broadcast %broadcast_in_dim3A_228 : vector<1x32xf32> to vector<64x32xf32>
    %mul3A_230 = arith.mulf %dot_general3A_225, %mul3A_229 : vector<64x32xf32>
    %swap3A_231 = arith.constant 5 : index
    %swap3A_232 = arith.constant 0 : index
    %swap3A_233 = arith.constant 0 : index
    %swap3A_234 = vector.load %arg4[%swap3A_231, %swap3A_232, %swap3A_233] : memref<8x64x32xf32, #tpu.memory_space<vmem>>, vector<1x64x32xf32>
    %swap3A_235 = vector.shape_cast %swap3A_234 : vector<1x64x32xf32> to vector<64x32xf32>
    %swap3A_236 = vector.shape_cast %mul3A_230 : vector<64x32xf32> to vector<1x64x32xf32>
    tpu.vector_store %arg4[%swap3A_231, %swap3A_232, %swap3A_233], %swap3A_236 {strides = array<i32>} : memref<8x64x32xf32, #tpu.memory_space<vmem>>, vector<1x64x32xf32>,
    %get3A_237 = arith.constant 5 : index
    %get3A_238 = arith.constant 0 : index
    %get3A_239 = arith.constant 0 : index
    %get3A_240 = vector.load %arg2[%get3A_237, %get3A_238, %get3A_239] : memref<8x8x128xf32, #tpu.memory_space<vmem>>, vector<1x8x128xf32>
    %get3A_241 = vector.shape_cast %get3A_240 : vector<1x8x128xf32> to vector<8x128xf32>
    %dot_general3A_242 = arith.constant dense<0.000000e+00> : vector<8x32xf32>
    %dot_general3A_243 = tpu.matmul %get3A_241, %select_n3A_218, %dot_general3A_242 {dimension_numbers = #tpu.dot_dimension_numbers<[1], [0], [0], [1], [0, 0, 1, 1], [], []>, precision = #tpu.contract_precision<fp32>, transpose_lhs_hint = false} : vector<8x128xf32>, vector<128x32xf32>, vector<8x32xf32> -> vector<8x32xf32>
    %swap3A_244 = arith.constant 5 : index
    %swap3A_245 = arith.constant 0 : index
    %swap3A_246 = arith.constant 0 : index
    %swap3A_247 = vector.load %arg3[%swap3A_244, %swap3A_245, %swap3A_246] : memref<8x8x32xf32, #tpu.memory_space<vmem>>, vector<1x8x32xf32>
    %swap3A_248 = vector.shape_cast %swap3A_247 : vector<1x8x32xf32> to vector<8x32xf32>
    %swap3A_249 = vector.shape_cast %dot_general3A_243 : vector<8x32xf32> to vector<1x8x32xf32>
    tpu.vector_store %arg3[%swap3A_244, %swap3A_245, %swap3A_246], %swap3A_249 {strides = array<i32>} : memref<8x8x32xf32, #tpu.memory_space<vmem>>, vector<1x8x32xf32>,
    %slice3A_250 = vector.extract_strided_slice %scan3A_9#1 {offsets = [6, 0], sizes = [1, 32], strides = [1, 1]} : vector<8x32xi32> to vector<1x32xi32>
    %squeeze3A_251 = vector.shape_cast %slice3A_250 : vector<1x32xi32> to vector<32xi32>
    %broadcast_in_dim3A_252 = vector.shape_cast %squeeze3A_251 : vector<32xi32> to vector<1x32xi32>
    %eq3A_253 = vector.broadcast %broadcast_in_dim3A_252 : vector<1x32xi32> to vector<128x32xi32>
    %eq3A_254 = arith.cmpi eq, %iota3A_11, %eq3A_253 : vector<128x32xi32>
    %jit3A_255 = arith.constant 1.000000e+00 : f32
    %jit3A_256 = arith.constant 0.000000e+00 : f32
    %broadcast_in_dim3A_257 = vector.broadcast %jit3A_255 : f32 to vector<128x32xf32>
    %broadcast_in_dim3A_258 = vector.broadcast %jit3A_256 : f32 to vector<128x32xf32>
    %select_n3A_259 = arith.select %eq3A_254, %broadcast_in_dim3A_257, %broadcast_in_dim3A_258 : vector<128x32xi1>, vector<128x32xf32>
    %get3A_260 = arith.constant 6 : index
    %get3A_261 = arith.constant 0 : index
    %get3A_262 = arith.constant 0 : index
    %get3A_263 = vector.load %arg1[%get3A_260, %get3A_261, %get3A_262] : memref<8x64x128xf32, #tpu.memory_space<vmem>>, vector<1x64x128xf32>
    %get3A_264 = vector.shape_cast %get3A_263 : vector<1x64x128xf32> to vector<64x128xf32>
    %dot_general3A_265 = arith.constant dense<0.000000e+00> : vector<64x32xf32>
    %dot_general3A_266 = tpu.matmul %get3A_264, %select_n3A_259, %dot_general3A_265 {dimension_numbers = #tpu.dot_dimension_numbers<[1], [0], [0], [1], [0, 0, 1, 1], [], []>, precision = #tpu.contract_precision<fp32>, transpose_lhs_hint = false} : vector<64x128xf32>, vector<128x32xf32>, vector<64x32xf32> -> vector<64x32xf32>
    %slice3A_267 = vector.extract_strided_slice %scan3A_9#2 {offsets = [6, 0], sizes = [1, 32], strides = [1, 1]} : vector<8x32xf32> to vector<1x32xf32>
    %squeeze3A_268 = vector.shape_cast %slice3A_267 : vector<1x32xf32> to vector<32xf32>
    %broadcast_in_dim3A_269 = vector.shape_cast %squeeze3A_268 : vector<32xf32> to vector<1x32xf32>
    %mul3A_270 = vector.broadcast %broadcast_in_dim3A_269 : vector<1x32xf32> to vector<64x32xf32>
    %mul3A_271 = arith.mulf %dot_general3A_266, %mul3A_270 : vector<64x32xf32>
    %swap3A_272 = arith.constant 6 : index
    %swap3A_273 = arith.constant 0 : index
    %swap3A_274 = arith.constant 0 : index
    %swap3A_275 = vector.load %arg4[%swap3A_272, %swap3A_273, %swap3A_274] : memref<8x64x32xf32, #tpu.memory_space<vmem>>, vector<1x64x32xf32>
    %swap3A_276 = vector.shape_cast %swap3A_275 : vector<1x64x32xf32> to vector<64x32xf32>
    %swap3A_277 = vector.shape_cast %mul3A_271 : vector<64x32xf32> to vector<1x64x32xf32>
    tpu.vector_store %arg4[%swap3A_272, %swap3A_273, %swap3A_274], %swap3A_277 {strides = array<i32>} : memref<8x64x32xf32, #tpu.memory_space<vmem>>, vector<1x64x32xf32>,
    %get3A_278 = arith.constant 6 : index
    %get3A_279 = arith.constant 0 : index
    %get3A_280 = arith.constant 0 : index
    %get3A_281 = vector.load %arg2[%get3A_278, %get3A_279, %get3A_280] : memref<8x8x128xf32, #tpu.memory_space<vmem>>, vector<1x8x128xf32>
    %get3A_282 = vector.shape_cast %get3A_281 : vector<1x8x128xf32> to vector<8x128xf32>
    %dot_general3A_283 = arith.constant dense<0.000000e+00> : vector<8x32xf32>
    %dot_general3A_284 = tpu.matmul %get3A_282, %select_n3A_259, %dot_general3A_283 {dimension_numbers = #tpu.dot_dimension_numbers<[1], [0], [0], [1], [0, 0, 1, 1], [], []>, precision = #tpu.contract_precision<fp32>, transpose_lhs_hint = false} : vector<8x128xf32>, vector<128x32xf32>, vector<8x32xf32> -> vector<8x32xf32>
    %swap3A_285 = arith.constant 6 : index
    %swap3A_286 = arith.constant 0 : index
    %swap3A_287 = arith.constant 0 : index
    %swap3A_288 = vector.load %arg3[%swap3A_285, %swap3A_286, %swap3A_287] : memref<8x8x32xf32, #tpu.memory_space<vmem>>, vector<1x8x32xf32>
    %swap3A_289 = vector.shape_cast %swap3A_288 : vector<1x8x32xf32> to vector<8x32xf32>
    %swap3A_290 = vector.shape_cast %dot_general3A_284 : vector<8x32xf32> to vector<1x8x32xf32>
    tpu.vector_store %arg3[%swap3A_285, %swap3A_286, %swap3A_287], %swap3A_290 {strides = array<i32>} : memref<8x8x32xf32, #tpu.memory_space<vmem>>, vector<1x8x32xf32>,
    %slice3A_291 = vector.extract_strided_slice %scan3A_9#1 {offsets = [7, 0], sizes = [1, 32], strides = [1, 1]} : vector<8x32xi32> to vector<1x32xi32>
    %squeeze3A_292 = vector.shape_cast %slice3A_291 : vector<1x32xi32> to vector<32xi32>
    %broadcast_in_dim3A_293 = vector.shape_cast %squeeze3A_292 : vector<32xi32> to vector<1x32xi32>
    %eq3A_294 = vector.broadcast %broadcast_in_dim3A_293 : vector<1x32xi32> to vector<128x32xi32>
    %eq3A_295 = arith.cmpi eq, %iota3A_11, %eq3A_294 : vector<128x32xi32>
    %jit3A_296 = arith.constant 1.000000e+00 : f32
    %jit3A_297 = arith.constant 0.000000e+00 : f32
    %broadcast_in_dim3A_298 = vector.broadcast %jit3A_296 : f32 to vector<128x32xf32>
    %broadcast_in_dim3A_299 = vector.broadcast %jit3A_297 : f32 to vector<128x32xf32>
    %select_n3A_300 = arith.select %eq3A_295, %broadcast_in_dim3A_298, %broadcast_in_dim3A_299 : vector<128x32xi1>, vector<128x32xf32>
    %get3A_301 = arith.constant 7 : index
    %get3A_302 = arith.constant 0 : index
    %get3A_303 = arith.constant 0 : index
    %get3A_304 = vector.load %arg1[%get3A_301, %get3A_302, %get3A_303] : memref<8x64x128xf32, #tpu.memory_space<vmem>>, vector<1x64x128xf32>
    %get3A_305 = vector.shape_cast %get3A_304 : vector<1x64x128xf32> to vector<64x128xf32>
    %dot_general3A_306 = arith.constant dense<0.000000e+00> : vector<64x32xf32>
    %dot_general3A_307 = tpu.matmul %get3A_305, %select_n3A_300, %dot_general3A_306 {dimension_numbers = #tpu.dot_dimension_numbers<[1], [0], [0], [1], [0, 0, 1, 1], [], []>, precision = #tpu.contract_precision<fp32>, transpose_lhs_hint = false} : vector<64x128xf32>, vector<128x32xf32>, vector<64x32xf32> -> vector<64x32xf32>
    %slice3A_308 = vector.extract_strided_slice %scan3A_9#2 {offsets = [7, 0], sizes = [1, 32], strides = [1, 1]} : vector<8x32xf32> to vector<1x32xf32>
    %squeeze3A_309 = vector.shape_cast %slice3A_308 : vector<1x32xf32> to vector<32xf32>
    %broadcast_in_dim3A_310 = vector.shape_cast %squeeze3A_309 : vector<32xf32> to vector<1x32xf32>
    %mul3A_311 = vector.broadcast %broadcast_in_dim3A_310 : vector<1x32xf32> to vector<64x32xf32>
    %mul3A_312 = arith.mulf %dot_general3A_307, %mul3A_311 : vector<64x32xf32>
    %swap3A_313 = arith.constant 7 : index
    %swap3A_314 = arith.constant 0 : index
    %swap3A_315 = arith.constant 0 : index
    %swap3A_316 = vector.load %arg4[%swap3A_313, %swap3A_314, %swap3A_315] : memref<8x64x32xf32, #tpu.memory_space<vmem>>, vector<1x64x32xf32>
    %swap3A_317 = vector.shape_cast %swap3A_316 : vector<1x64x32xf32> to vector<64x32xf32>
    %swap3A_318 = vector.shape_cast %mul3A_312 : vector<64x32xf32> to vector<1x64x32xf32>
    tpu.vector_store %arg4[%swap3A_313, %swap3A_314, %swap3A_315], %swap3A_318 {strides = array<i32>} : memref<8x64x32xf32, #tpu.memory_space<vmem>>, vector<1x64x32xf32>,
    %get3A_319 = arith.constant 7 : index
    %get3A_320 = arith.constant 0 : index
    %get3A_321 = arith.constant 0 : index
    %get3A_322 = vector.load %arg2[%get3A_319, %get3A_320, %get3A_321] : memref<8x8x128xf32, #tpu.memory_space<vmem>>, vector<1x8x128xf32>
    %get3A_323 = vector.shape_cast %get3A_322 : vector<1x8x128xf32> to vector<8x128xf32>
    %dot_general3A_324 = arith.constant dense<0.000000e+00> : vector<8x32xf32>
    %dot_general3A_325 = tpu.matmul %get3A_323, %select_n3A_300, %dot_general3A_324 {dimension_numbers = #tpu.dot_dimension_numbers<[1], [0], [0], [1], [0, 0, 1, 1], [], []>, precision = #tpu.contract_precision<fp32>, transpose_lhs_hint = false} : vector<8x128xf32>, vector<128x32xf32>, vector<8x32xf32> -> vector<8x32xf32>
    %swap3A_326 = arith.constant 7 : index
    %swap3A_327 = arith.constant 0 : index
    %swap3A_328 = arith.constant 0 : index
    %swap3A_329 = vector.load %arg3[%swap3A_326, %swap3A_327, %swap3A_328] : memref<8x8x32xf32, #tpu.memory_space<vmem>>, vector<1x8x32xf32>
    %swap3A_330 = vector.shape_cast %swap3A_329 : vector<1x8x32xf32> to vector<8x32xf32>
    %swap3A_331 = vector.shape_cast %dot_general3A_325 : vector<8x32xf32> to vector<1x8x32xf32>
    tpu.vector_store %arg3[%swap3A_326, %swap3A_327, %swap3A_328], %swap3A_331 {strides = array<i32>} : memref<8x8x32xf32, #tpu.memory_space<vmem>>, vector<1x8x32xf32>,
    return
  }
}

</mosaic_0001>

<sc_bundles>
// kernel: sparse-core-data-format-call.1.cloned.1.call-start
scs
called_computation.1_lowered:
.L_overlay_start_0:
0x0: {  	s1 =	sld [smem:$0x3FD9]  }
0x1: {  	s2 =	sld [smem:$0x3FFE];
	_ =	sdelay $0x1  }
0x2: {  	s3 =	srdreg.scid  }
0x3: {  	s0 =	sand.u32 $0x1, s3  }
0x4: {  	s17 =	sshll.u32 s0, $0xA;
	s1 =	sadd.s32 s2, s1  }
0x5: {  	s1 =	sadd.s32 s1, s17  }
0x6: {  	[smem:$0x3F9B] =	sst s1  }
0x7: {  	_ = 	snop  }
0x8: {  	(tm) =	ssettm $0x1  }
0x9: {  	s18 =	sld [smem:$0x3FFB];
	_ =	sdelay $0x3  }
0xa: {  	_ =	strace s18  }
0xb: {  	s1 =	sld [smem:$0x3FFC];
	_ =	sdelay $0x3  }
0xc: {  	_ =	strace s1  }
0xd: {  	s1 =	sld [smem:$0x3FFD];
	_ =	sdelay $0x3  }
0xe: {  	_ =	strace s1  }
0xf: {  	_ =	strace $0x8FFFFFFF  }
0x10: {  	s19 =	sld [smem:$0x3FDB];
	_ =	sdelay $0x1  }
0x11: {  	s20 =	simm.s32 $_scs_section_size  }
0x12: {  	s4 =	simm.s32 $_size__tile_overlayer_lowered;
	s5 =	simm.s32 $_tile_overlayer_lowered  }
0x13: {  	s23 =	simm.s32 $0x1BFF;
	s22 =	sshll.u32 s5, $0x1;
	s1 =	sadd.s32 s20, s19  }
0x14: {  	s6 =	simm.s32 $0x0;
	s21 =	sshll.u32 s4, $0x1;
	s4 =	sadd.s32 s22, s1  }
0x15: {  	[timem:s6], [sflag:s23] =	dma.local [hbm:s4], s21  }
0x16: {  	_ =	swait.ge [sflag:s23], s21  }
0x17: {  	s2 =	ssub.s32 $0x0, s21;
	[sflag:s23] =	ssyncset.done $0x0  }
0x18: {  	[sflag:s23] =	ssyncadd.s32 s2;
	_ =	sdelay $0x1  }
0x19: {  	s24 =	simm.s32 $0x1B8B  }
0x1a: {  	_ =	swait.ge [sflag:s24], $0x1  }
0x1b: {  	[sflag:s24] =	ssyncset.done $0x0  }
0x1c: {  	s26 =	simm.s32 $0x1B8E;
	s25 =	sld [smem:$0x3FFE];
	[sflag:s24] =	ssyncadd.s32 $0xFFFFFFFF  }
0x1d: {  	s27 =	simm.s32 $execute0_lowered;
	[smem:$0x3FD2] =	sst s26  }
0x1e: {  	s4 =	sshll.u32 s27, $0x1;
	_ =	strace $0x80000046;
	[dreg:$0x1] =	wrdreg $0xFFFFFFFF  }
0x1f: {  	s28 =	simm.s32 $_size_execute0_lowered;
	s1 =	sadd.s32 s1, s4;
	[dreg:$0x0] =	wrdreg $0x0  }
0x20: {  	s4 =	sshll.u32 s28, $0x1;
	[dreg:$0x2] =	wrdreg s1  }
0x21: {  	[dreg:$0x3] =	wrdreg s4  }
0x22: {  	[dreg:$0x4] =	wrdreg $0xC0  }
0x23: {  	_ =	task [dreg:s6], $0x5FFFF  }
0x24: {  	[dreg:$0x1] =	wrdreg $0xFFFFFFFF  }
0x25: {  	[dreg:$0x0] =	wrdreg $0x60  }
0x26: {  	[dreg:$0x2] =	wrdreg s25  }
0x27: {  	[dreg:$0x3] =	wrdreg $0x9  }
0x28: {  	_ =	task.clear_ibuf [dreg:s6], $0x4FFFF;
	_ =	strace $0x90000046  }
0x29: {  	s29 =	simm.s32 $0x9;
	_ =	strace $0x80000048  }
0x2a: {  	_ =	swait.ge [sflag:s29], $0x1  }
0x2b: {  	[sflag:s29] =	ssyncadd.s32 $0xFFFFFFFF  }
0x2c: {  	_ =	strace $0x90000048  }
0x2d: {  	_ =	sfence  }
0x2e: {  	s30 =	sld [smem:$0x0];
	_ =	sdelay $0x2  }
0x2f: {  	s31 =	sshll.u32 s3, $0xD;
	s3 =	sshrl.u32 s3, $0x2  }
0x30: {  	s2 =	sand.u32 $0x4000, s31;
	s1 =	sadd.s32 s3, s30  }
0x31: {  	s0 =	sor.u32 s2, s0;
	s1 =	sshll.u32 s1, $0x11  }
0x32: {  	s0 =	sor.u32 s1, s0  }
0x33: {  	s0 =	sadd.s32 $0x8F2B, s0  }
0x34: {  	[sflag:s0] =	ssyncadd.remote.s32 $0x1  }
0x35: {  	_ =	sfence.sel $0xFFFF  }
0x36: {  	[dreg:$0x0] =	wrdreg $0xFFFFFFFF;
	(pc) =	sbr.abs _section_cstart, $3  }
0x37: {  	[dreg:$0x1] =	wrdreg $0xFFFFFFFF  }
0x38: {  	_ =	task.clear_ibuf [dreg:s6], $0x2FFFF;
	_ =	strace $0x9FFFFFFF  }
0x39: {  	(tm) =	ssettm $0x7FFFFFFF  }
tec
execute0_lowered:
.L_overlay_start_1:
0x0: {  	(tag) =	ssettag $0x1  }
0x1: {  	s0 =	stileid.u32  }
0x2: {  	s1 =	srdreg.scid;
	s3 =	rddreg [dreg:$0x0];
	s7 =	simm.s32 $0x1  }
0x3: {  	s6 =	simm.s32 $0x1;
	s2 =	sshll.u32 s0, $0x4;
	s1 =	sshll.u32 s1, $0x8  }
0x4: {  	s31 =	simm.s32 $0x2;
	s16 =	simm.s32 $0x0;
	s1 =	sor.u32 s2, s1  }
0x5: {  	s9 =	simm.s32 $0x4000;
	s14 =	simm.s32 $0x0;
	s2 =	sand.u32 $0x180, s1  }
0x6: {  	s15 =	simm.s32 $0x0;
	s10 =	simm.s32 $0x0;
	s5 =	ssub.s32 $0x800, s2  }
0x7: {  	s13 =	simm.s32 $0x0;
	s1 =	rddreg [dreg:$0x1];
	s4 =	sand.u32 $0x180, s5  }
.Ltmp0:
0x8: {  	_ =	strace $0x80000047;
	p0 =	sne.s32 s4, $0x0;
	(pc) =	sbr.rel .LBB1_1-.Ltmp0, $4  }
0x9: {  	[sflag:s6] =	ssyncpa.u1 $0x0;
	s8 =	sshrl.u32 s5, $0x9;
	s7 =	simm.s32 @!p0 $0x0  }
0xa: {  	s11 =	smov.u32 s2;
	s5 =	sand.u32 $0x7, s0;
	s7 =	sadd.s32 s7, s8  }
0xb: {  	[sflag:s31] =	ssyncpa.u1 $0x0;
	s4 =	sadd.s32 $0x400000, s3;
	s7 =	sshll.u32 s7, $0x4  }
0xc: {  	s12 =	smov.u32 s5;
	p0 =	por $0x0, $0x0;
	s8 =	sor.u32 $0x1, s7  }
.LBB1_4:
0xd: {  	v5 =	vld [tilespmem:s19+$0xFFFFFFD0]  }
0xe: {  	[tilespmem:s20+$0x2040 ss:$0x81] =	vst.msk $0xffff, v1;
	v58 =	vld [tilespmem:s19+$0xFFFFFFE0]  }
0xf: {  	[tilespmem:s20+$0x2850 ss:$0x81] =	vst.msk $0xffff, v2;
	v59 =	vld [tilespmem:s19+$0xFFFFFFF0]  }
0x10: {  	s21 =	sshra.s32 s21, $0x2;
	[tilespmem:s20+$0x3060 ss:$0x81] =	vst.msk $0xffff, v3;
	v60 =	vld [tilespmem:s19+$0x0]  }
0x11: {  	[tilespmem:s20+$0x0 ss:$0x81] =	vst.msk $0xffff, v0;
	v61 =	vld [tilespmem:s19+$0x10];
	s18 =	sadd.s32 s21, s18  }
0x12: {  	s26 =	sshll.u32 s16, $0xB;
	v62 =	vld [tilespmem:s19+$0x20];
	[tilespmem:s18+$0x3870 ss:$0x81] =	vst.msk $0xffff, v4  }
0x13: {  	s27 =	sand.u32 $0x78, s14;
	s22 =	sshll.u32 s14, $0x3;
	v63 =	vld [tilespmem:s19+$0xFFFFFFC0];
	s29 =	sshll.u32 s16, $0x7;
	[tilespmem:s18+$0x810 ss:$0x81] =	vst.msk $0xffff, v5  }
0x14: {  	s15 =	sshll.u32 s15, $0x13;
	s20 =	sand.u32 $0x3FC000, s26;
	s28 =	sand.u32 $0x3FFC00, s22;
	[tilespmem:s18+$0x1020 ss:$0x81] =	vst.msk $0xffff, v58  }
0x15: {  	s31 =	sand.u32 $0x7, s14;
	s22 =	sand.u32 $0x400, s22;
	s19 =	sadd.s32 s28, s20;
	[tilespmem:s18+$0x1830 ss:$0x81] =	vst.msk $0xffff, v59  }
0x16: {  	s16 =	sand.u32 $0x380, s29;
	s30 =	sor.u32 s27, s22;
	s19 =	sshrl.u32 s19, $0x3;
	[tilespmem:s18+$0x2040 ss:$0x81] =	vst.msk $0xffff, v60  }
0x17: {  	s15 =	sadd.s32 s4, s15;
	s16 =	sor.u32 s16, s30;
	s19 =	sand.u32 $0x7FF00, s19;
	[tilespmem:s18+$0x2850 ss:$0x81] =	vst.msk $0xffff, v61  }
0x18: {  	s14 =	sshll.u32 s31, $0x12;
	s16 =	sshrl.u32 s16, $0x3;
	[tilespmem:s18+$0x3060 ss:$0x81] =	vst.msk $0xffff, v62;
	s15 =	sadd.s32 s19, s15  }
0x19: {  	s14 =	sor.u32 $0x400, s14;
	[tilespmem:s18+$0x0 ss:$0x81] =	vst.msk $0xffff, v63;
	s15 =	sadd.s32 s16, s15  }
0x1a: {  	[hbm4b:s15+s14] =	stream.strided.scatter [tilespmem:s17], [sflag:$0x2], $0x4000, s9, s14, $0x20;
	[tilespmem:$0x10100] =	vst v63  }
.LBB1_5:
0x1b: {  	s17 =	sadd.s32 $0x80, s10  }
0x1c: {  	s14 =	sadd.s32 $0x200, s11;
	s18 =	smov.u32 s11;
	p2 =	sgt.s32 s17, $0x7FF  }
0x1d: {  	s18 =	smov.u32 @p2 s14  }
0x1e: {  	s20 =	smov.u32 s12;
	s14 =	sadd.s32 $0x8, s12;
	p3 =	sgt.s32 s18, $0x7FF  }
0x1f: {  	s20 =	smov.u32 @p3 s14  }
0x20: {  	s17 =	simm.s32 @p2 $0x0;
	p2 =	sgt.s32 s20, $0x7  }
0x21: {  	p1 =	slt.u32 s13, $0x2;
	s20 =	smov.u32 @p2 s5;
	p2 =	sne.s32 s13, s8  }
.Ltmp1:
0x22: {  	s19 =	simm.s32 @!p1 $0x2;
	(pc) =	sbr.rel @!p2 .LBB1_6-.Ltmp1, $4  }
0x23: {  	s16 =	smov.u32 s10;
	s15 =	smov.u32 s12;
	_ =	swait.ge @!p1 [sflag:s19], $0x4000  }
0x24: {  	p0 =	por !p0, !p0;
	[sflag:s19] =	ssyncset.done @!p1 $0x0;
	s10 =	smov.u32 s17  }
0x25: {  	s18 =	smov.u32 @p3 s2;
	s14 =	smov.u32 s11;
	[sflag:s19] =	ssyncadd.s32 @!p1 $0xFFFFC000  }
0x26: {  	s11 =	smov.u32 s18;
	s13 =	sadd.s32 $0x1, s13;
	s12 =	smov.u32 s20  }
.LBB1_1:
0x27: {  	p1 =	sge.u32 s13, s7;
	s31 =	sadd.s32 $0xFFFFFFFF, s13  }
0x28: {  	s17 =	sxor.u32 @!p1 $0xFFFFFFFF, s13;
	s18 =	sand.u32 @!p1 $0x78, s10;
	s19 =	sshll.u32 @!p1 s11, $0xB  }
0x29: {  	s20 =	sshll.u32 @!p1 s11, $0x7;
	s21 =	sshll.u32 @!p1 s10, $0x3;
	s17 =	sshll.u32 @!p1 s17, $0xE  }
0x2a: {  	s19 =	sand.u32 @!p1 $0x3FC000, s19;
	s20 =	sand.u32 @!p1 $0x380, s20;
	s17 =	sand.u32 @!p1 $0x4000, s17  }
0x2b: {  	s19 =	sadd.s32 @!p1 s19, s21;
	s21 =	sand.u32 @!p1 $0x400, s21;
	s18 =	sor.u32 @!p1 s20, s18  }
0x2c: {  	s20 =	sshll.u32 @!p1 s12, $0x13;
	s18 =	sor.u32 @!p1 s21, s18;
	s19 =	sshrl.u32 @!p1 s19, $0x3  }
0x2d: {  	s20 =	sadd.s32 @!p1 s3, s20;
	s21 =	sand.u32 @!p1 $0x7, s10;
	s19 =	sand.u32 @!p1 $0x7FF00, s19  }
0x2e: {  	s18 =	sshrl.u32 @!p1 s18, $0x3;
	s19 =	sadd.s32 @!p1 s19, s20;
	s20 =	sshll.u32 @!p1 s21, $0x12  }
0x2f: {  	s18 =	sadd.s32 @!p1 s18, s19;
	s19 =	sor.u32 @!p1 $0x400, s20;
	s20 =	simm.s32 @!p1 $0x4000  }
0x30: {  	[tilespmem:s17], [sflag:$0x1] =	stream.strided.gather @!p1 [hbm4b:s18+s19], $0x4000, s20, s19, $0x38;
	[tilespmem:$0x10100] =	vst v63  }
0x31: {  	p1 =	sge.u32 s31, s7  }
.Ltmp2:
0x32: {  	_ = 	snop;
	(pc) =	sbr.rel @p1 .LBB1_5-.Ltmp2, $1  }
0x33: {  	_ =	sdelay $0x3  }
0x34: {  	s17 =	simm.s32 $0x1  }
0x35: {  	_ =	swait.ge [sflag:s6], $0x4000;
	s17 =	simm.s32 @!p0 $0x0  }
0x36: {  	[sflag:s6] =	ssyncset.done $0x0;
	s18 =	sshll.u32 s17, $0xE  }
0x37: {  	[sflag:s6] =	ssyncadd.s32 $0xFFFFC000;
	s19 =	sor.u32 $0x40, s18  }
0x38: {  	s17 =	smul.u32 $0x10200, s17;
	v0 =	vld [tilespmem:s19+$0x30]  }
0x39: {  	v3 =	vld [tilespmem:s19+$0xFFFFFFD0]  }
0x3a: {  	s17 =	sshrl.u32 s17, $0x2;
	v4 =	vld [tilespmem:s19+$0xFFFFFFE0]  }
0x3b: {  	v5 =	vld [tilespmem:s19+$0xFFFFFFF0];
	s18 =	sor.u32 $0x8000, s17  }
0x3c: {  	s31 =	sand.u32 $0x1, s13;
	v1 =	vld [tilespmem:s19+$0x0];
	s20 =	sadd.s32 $0x0, s18  }
0x3d: {  	v2 =	vld [tilespmem:s19+$0x10];
	s17 =	smul.u32 $0x10200, s31;
	[tilespmem:s20+$0x3870 ss:$0x81] =	vst.msk $0xffff, v0  }
0x3e: {  	[tilespmem:s20+$0x810 ss:$0x81] =	vst.msk $0xffff, v3;
	v3 =	vld [tilespmem:s19+$0x20]  }
0x3f: {  	s17 =	sshrl.u32 s17, $0x2;
	v0 =	vld [tilespmem:s19+$0xFFFFFFC0];
	[tilespmem:s20+$0x1020 ss:$0x81] =	vst.msk $0xffff, v4;
	s19 =	sadd.s32 $0x80, s19  }
0x40: {  	s21 =	simm.s32 $0x4;
	s22 =	simm.s32 $0x8;
	s17 =	sor.u32 $0x8000, s17;
	[tilespmem:s20+$0x1830 ss:$0x81] =	vst.msk $0xffff, v5;
	v4 =	vld [tilespmem:s19+$0x30]  }
.LBB1_3:
0x41: {  	p1 =	sne.s32 s22, $0x1FC;
	v5 =	vld [tilespmem:s19+$0xFFFFFFD0];
	[tilespmem:s20+$0x2040 ss:$0x81] =	vst.msk $0xffff, v1  }
0x42: {  	v6 =	vld [tilespmem:s19+$0xFFFFFFE0];
	[tilespmem:s20+$0x2850 ss:$0x81] =	vst.msk $0xffff, v2  }
0x43: {  	s23 =	sshra.s32 s21, $0x2;
	s21 =	smov.u32 s22;
	v7 =	vld [tilespmem:s19+$0xFFFFFFF0];
	[tilespmem:s20+$0x3060 ss:$0x81] =	vst.msk $0xffff, v3  }
.Ltmp3:
0x44: {  	v1 =	vld [tilespmem:s19+$0x0];
	[tilespmem:s20+$0x0 ss:$0x81] =	vst.msk $0xffff, v0;
	s20 =	sadd.s32 s23, s18;
	(pc) =	sbr.rel @p1 .LBB1_3-.Ltmp3, $4  }
0x45: {  	v2 =	vld [tilespmem:s19+$0x10];
	[tilespmem:s20+$0x3870 ss:$0x81] =	vst.msk $0xffff, v4  }
0x46: {  	[tilespmem:s20+$0x810 ss:$0x81] =	vst.msk $0xffff, v5;
	v3 =	vld [tilespmem:s19+$0x20]  }
0x47: {  	v0 =	vld [tilespmem:s19+$0xFFFFFFC0];
	[tilespmem:s20+$0x1020 ss:$0x81] =	vst.msk $0xffff, v6;
	s19 =	sadd.s32 $0x80, s19  }
0x48: {  	s22 =	sadd.s32 $0x4, s22;
	v4 =	vld [tilespmem:s19+$0x30];
	[tilespmem:s20+$0x1830 ss:$0x81] =	vst.msk $0xffff, v7  }
.Ltmp4:
0x49: {  	_ = 	snop;
	(pc) =	sbr.rel .LBB1_4-.Ltmp4, $1  }
0x4a: {  	_ =	sdelay $0x3  }
.LBB1_6:
0x4b: {  	_ =	sfence.sel $0x180000  }
0x4c: {  	s2 =	simm.s32 $0x1;
	[bflag:$0x0] =	sbarrier.arrive $0xFFFF  }
0x4d: {  	s31 =	simm.s32 $0x2;
	[sflag:s2] =	ssyncpa.u1 $0x1  }
0x4e: {  	[sflag:s31] =	ssyncpa.u1 $0x1  }
0x4f: {  	p0 =	sne.s32 s0, $0x0;
	_ =	strace $0x90000047  }
0x50: {  	s0 =	sadd.s32 @!p0 $0x100000, s1;
	[bflag:$0x2] =	sbarrier.arrive $0xFFFF  }
0x51: {  	[sflag:s0] =	ssyncadd.tile.s32 @!p0 $0x1;
	_ =	shalt  }
.Lfunc_end1:
_tile_overlayer_lowered:
.L_overlay_start_2:
0x52: {  	(tag) =	ssettag $0x2  }
0x53: {  	s0 =	rddreg [dreg:$0x0];
	s2 =	stileid.u32  }
0x54: {  	s1 =	rddreg [dreg:$0x1];
	p0 =	sne.s32 s2, $0x0  }
0x55: {  	s3 =	rddreg [dreg:$0x2];
	[bflag:$0x3] =	sbarrier.arrive $0xFFFF;
	s2 =	simm.s32 @!p0 $0x1C01  }
0x56: {  	[timem:s3], [sflag:s2] =	dma.local @!p0 [hbm:s0], s1  }
0x57: {  	s0 =	simm.s32 @!p0 $0x1  }
0x58: {  	_ =	swait.ge @!p0 [sflag:s0], s1  }
0x59: {  	s1 =	ssub.s32 @!p0 $0x0, s1;
	[sflag:s0] =	ssyncset.done @!p0 $0x0  }
0x5a: {  	[sflag:s0] =	ssyncadd.s32 @!p0 s1  }
0x5b: {  	[bflag:$0x3] =	sbarrier.arrive $0xFFFF  }
0x5c: {  	_ =	shalt  }

// kernel: sparse-core-data-format-call.cloned.1.call-start
scs
called_computation_lowered:
.L_overlay_start_0:
0x0: {  	s1 =	sld [smem:$0x3FD9]  }
0x1: {  	s2 =	sld [smem:$0x3FFE];
	_ =	sdelay $0x1  }
0x2: {  	s3 =	srdreg.scid  }
0x3: {  	s0 =	sand.u32 $0x1, s3  }
0x4: {  	s17 =	sshll.u32 s0, $0xA;
	s1 =	sadd.s32 s2, s1  }
0x5: {  	s1 =	sadd.s32 s1, s17  }
0x6: {  	[smem:$0x3F9B] =	sst s1  }
0x7: {  	_ = 	snop  }
0x8: {  	(tm) =	ssettm $0x1  }
0x9: {  	s18 =	sld [smem:$0x3FFB];
	_ =	sdelay $0x3  }
0xa: {  	_ =	strace s18  }
0xb: {  	s1 =	sld [smem:$0x3FFC];
	_ =	sdelay $0x3  }
0xc: {  	_ =	strace s1  }
0xd: {  	s1 =	sld [smem:$0x3FFD];
	_ =	sdelay $0x3  }
0xe: {  	_ =	strace s1  }
0xf: {  	_ =	strace $0x8FFFFFFF  }
0x10: {  	s19 =	sld [smem:$0x3FDB];
	_ =	sdelay $0x1  }
0x11: {  	s20 =	simm.s32 $_scs_section_size  }
0x12: {  	s4 =	simm.s32 $_size__tile_overlayer_lowered;
	s5 =	simm.s32 $_tile_overlayer_lowered  }
0x13: {  	s23 =	simm.s32 $0x1BFF;
	s22 =	sshll.u32 s5, $0x1;
	s1 =	sadd.s32 s20, s19  }
0x14: {  	s6 =	simm.s32 $0x0;
	s21 =	sshll.u32 s4, $0x1;
	s4 =	sadd.s32 s22, s1  }
0x15: {  	[timem:s6], [sflag:s23] =	dma.local [hbm:s4], s21  }
0x16: {  	_ =	swait.ge [sflag:s23], s21  }
0x17: {  	s2 =	ssub.s32 $0x0, s21;
	[sflag:s23] =	ssyncset.done $0x0  }
0x18: {  	[sflag:s23] =	ssyncadd.s32 s2;
	_ =	sdelay $0x1  }
0x19: {  	s24 =	simm.s32 $0x1B8B  }
0x1a: {  	_ =	swait.ge [sflag:s24], $0x1  }
0x1b: {  	[sflag:s24] =	ssyncset.done $0x0  }
0x1c: {  	s26 =	simm.s32 $0x1B8E;
	s25 =	sld [smem:$0x3FFE];
	[sflag:s24] =	ssyncadd.s32 $0xFFFFFFFF  }
0x1d: {  	s27 =	simm.s32 $execute0_lowered;
	[smem:$0x3FD2] =	sst s26  }
0x1e: {  	s4 =	sshll.u32 s27, $0x1;
	_ =	strace $0x80000049;
	[dreg:$0x1] =	wrdreg $0xFFFFFFFF  }
0x1f: {  	s28 =	simm.s32 $_size_execute0_lowered;
	s1 =	sadd.s32 s1, s4;
	[dreg:$0x0] =	wrdreg $0x0  }
0x20: {  	s4 =	sshll.u32 s28, $0x1;
	[dreg:$0x2] =	wrdreg s1  }
0x21: {  	[dreg:$0x3] =	wrdreg s4  }
0x22: {  	[dreg:$0x4] =	wrdreg $0xC0  }
0x23: {  	_ =	task [dreg:s6], $0x5FFFF  }
0x24: {  	[dreg:$0x1] =	wrdreg $0xFFFFFFFF  }
0x25: {  	[dreg:$0x0] =	wrdreg $0x60  }
0x26: {  	[dreg:$0x2] =	wrdreg s25  }
0x27: {  	[dreg:$0x3] =	wrdreg $0x9  }
0x28: {  	_ =	task.clear_ibuf [dreg:s6], $0x4FFFF;
	_ =	strace $0x90000049  }
0x29: {  	s29 =	simm.s32 $0x9;
	_ =	strace $0x8000004B  }
0x2a: {  	_ =	swait.ge [sflag:s29], $0x1  }
0x2b: {  	[sflag:s29] =	ssyncadd.s32 $0xFFFFFFFF  }
0x2c: {  	_ =	strace $0x9000004B  }
0x2d: {  	_ =	sfence  }
0x2e: {  	s30 =	sld [smem:$0x0];
	_ =	sdelay $0x2  }
0x2f: {  	s31 =	sshll.u32 s3, $0xD;
	s3 =	sshrl.u32 s3, $0x2  }
0x30: {  	s2 =	sand.u32 $0x4000, s31;
	s1 =	sadd.s32 s3, s30  }
0x31: {  	s0 =	sor.u32 s2, s0;
	s1 =	sshll.u32 s1, $0x11  }
0x32: {  	s0 =	sor.u32 s1, s0  }
0x33: {  	s0 =	sadd.s32 $0x8F2B, s0  }
0x34: {  	[sflag:s0] =	ssyncadd.remote.s32 $0x1  }
0x35: {  	_ =	sfence.sel $0xFFFF  }
0x36: {  	[dreg:$0x0] =	wrdreg $0xFFFFFFFF;
	(pc) =	sbr.abs _section_cstart, $3  }
0x37: {  	[dreg:$0x1] =	wrdreg $0xFFFFFFFF  }
0x38: {  	_ =	task.clear_ibuf [dreg:s6], $0x2FFFF;
	_ =	strace $0x9FFFFFFF  }
0x39: {  	(tm) =	ssettm $0x7FFFFFFF  }
tec
execute0_lowered:
.L_overlay_start_1:
0x0: {  	(tag) =	ssettag $0x1  }
0x1: {  	s0 =	stileid.u32;
	s1 =	srdreg.scid  }
0x2: {  	s4 =	rddreg [dreg:$0x0];
	s7 =	simm.s32 $0x1;
	s31 =	simm.s32 $0x2  }
0x3: {  	s16 =	simm.s32 $0x0;
	s2 =	sshll.u32 s0, $0x4;
	s1 =	sshll.u32 s1, $0x8  }
0x4: {  	s9 =	simm.s32 $0x4000;
	s14 =	simm.s32 $0x0;
	s1 =	sor.u32 s2, s1  }
0x5: {  	s15 =	simm.s32 $0x0;
	s10 =	simm.s32 $0x0;
	s2 =	sand.u32 $0x180, s1  }
0x6: {  	s13 =	simm.s32 $0x0;
	s3 =	sadd.s32 $0x21800, s4;
	s5 =	ssub.s32 $0x800, s2  }
0x7: {  	s4 =	sadd.s32 $0x121800, s4;
	s1 =	rddreg [dreg:$0x1];
	s6 =	sand.u32 $0x180, s5  }
.Ltmp0:
0x8: {  	_ =	strace $0x8000004A;
	p0 =	sne.s32 s6, $0x0;
	(pc) =	sbr.rel .LBB1_1-.Ltmp0, $4  }
0x9: {  	s11 =	smov.u32 s2;
	s8 =	sshrl.u32 s5, $0x9;
	s7 =	simm.s32 @!p0 $0x0  }
0xa: {  	s5 =	sand.u32 $0x7, s0;
	s6 =	simm.s32 $0x1;
	s7 =	sadd.s32 s7, s8  }
0xb: {  	s12 =	smov.u32 s5;
	[sflag:s6] =	ssyncpa.u1 $0x0;
	s7 =	sshll.u32 s7, $0x2  }
0xc: {  	p0 =	por $0x0, $0x0;
	[sflag:s31] =	ssyncpa.u1 $0x0;
	s8 =	sor.u32 $0x1, s7  }
.LBB1_4:
0xd: {  	v5 =	vld [tilespmem:s19+$0xFFFFFFD0];
	[tilespmem:s20+$0x2040 ss:$0x81] =	vst.msk $0xffff, v1  }
0xe: {  	v58 =	vld [tilespmem:s19+$0xFFFFFFE0];
	[tilespmem:s20+$0x2850 ss:$0x81] =	vst.msk $0xffff, v2  }
0xf: {  	s21 =	sshra.s32 s21, $0x2;
	v59 =	vld [tilespmem:s19+$0xFFFFFFF0];
	[tilespmem:s20+$0x3060 ss:$0x81] =	vst.msk $0xffff, v3  }
0x10: {  	v60 =	vld [tilespmem:s19+$0x0];
	[tilespmem:s20+$0x0 ss:$0x81] =	vst.msk $0xffff, v0;
	s18 =	sadd.s32 s21, s18  }
0x11: {  	v61 =	vld [tilespmem:s19+$0x10];
	s26 =	sshll.u32 s16, $0xB;
	[tilespmem:s18+$0x3870 ss:$0x81] =	vst.msk $0xffff, v4  }
0x12: {  	v62 =	vld [tilespmem:s19+$0x20];
	s27 =	sand.u32 $0x78, s14;
	s22 =	sshll.u32 s14, $0x3;
	s29 =	sshll.u32 s16, $0x7;
	[tilespmem:s18+$0x810 ss:$0x81] =	vst.msk $0xffff, v5  }
0x13: {  	v63 =	vld [tilespmem:s19+$0xFFFFFFC0];
	s15 =	sshll.u32 s15, $0x11;
	s20 =	sand.u32 $0xFC000, s26;
	s28 =	sand.u32 $0xFFC00, s22;
	[tilespmem:s18+$0x1020 ss:$0x81] =	vst.msk $0xffff, v58  }
0x14: {  	s31 =	sand.u32 $0x7, s14;
	s22 =	sand.u32 $0x400, s22;
	s19 =	sadd.s32 s28, s20;
	[tilespmem:s18+$0x1830 ss:$0x81] =	vst.msk $0xffff, v59  }
0x15: {  	s16 =	sand.u32 $0x380, s29;
	s30 =	sor.u32 s27, s22;
	s19 =	sshrl.u32 s19, $0x3;
	[tilespmem:s18+$0x2040 ss:$0x81] =	vst.msk $0xffff, v60  }
0x16: {  	s15 =	sadd.s32 s4, s15;
	s16 =	sor.u32 s16, s30;
	s19 =	sand.u32 $0x1FF00, s19;
	[tilespmem:s18+$0x2850 ss:$0x81] =	vst.msk $0xffff, v61  }
0x17: {  	s14 =	sshll.u32 s31, $0x12;
	s16 =	sshrl.u32 s16, $0x3;
	[tilespmem:s18+$0x3060 ss:$0x81] =	vst.msk $0xffff, v62;
	s15 =	sadd.s32 s19, s15  }
0x18: {  	s14 =	sor.u32 $0x400, s14;
	[tilespmem:s18+$0x0 ss:$0x81] =	vst.msk $0xffff, v63;
	s15 =	sadd.s32 s16, s15  }
0x19: {  	[hbm4b:s15+s14] =	stream.strided.scatter [tilespmem:s17], [sflag:$0x2], $0x4000, s9, s14, $0x20;
	[tilespmem:$0x10100] =	vst v63  }
.LBB1_5:
0x1a: {  	s17 =	sadd.s32 $0x80, s10  }
0x1b: {  	s14 =	sadd.s32 $0x200, s11;
	s18 =	smov.u32 s11;
	p2 =	sgt.s32 s17, $0x1FF  }
0x1c: {  	s18 =	smov.u32 @p2 s14  }
0x1d: {  	s20 =	smov.u32 s12;
	s14 =	sadd.s32 $0x8, s12;
	p3 =	sgt.s32 s18, $0x7FF  }
0x1e: {  	s20 =	smov.u32 @p3 s14  }
0x1f: {  	s17 =	simm.s32 @p2 $0x0;
	p2 =	sgt.s32 s20, $0x7  }
0x20: {  	p1 =	slt.u32 s13, $0x2;
	s20 =	smov.u32 @p2 s5;
	p2 =	sne.s32 s13, s8  }
.Ltmp1:
0x21: {  	s19 =	simm.s32 @!p1 $0x2;
	(pc) =	sbr.rel @!p2 .LBB1_6-.Ltmp1, $4  }
0x22: {  	s16 =	smov.u32 s10;
	s15 =	smov.u32 s12;
	_ =	swait.ge @!p1 [sflag:s19], $0x4000  }
0x23: {  	p0 =	por !p0, !p0;
	[sflag:s19] =	ssyncset.done @!p1 $0x0;
	s10 =	smov.u32 s17  }
0x24: {  	s18 =	smov.u32 @p3 s2;
	s14 =	smov.u32 s11;
	[sflag:s19] =	ssyncadd.s32 @!p1 $0xFFFFC000  }
0x25: {  	s11 =	smov.u32 s18;
	s13 =	sadd.s32 $0x1, s13;
	s12 =	smov.u32 s20  }
.LBB1_1:
0x26: {  	p1 =	sge.u32 s13, s7  }
0x27: {  	s31 =	sadd.s32 $0xFFFFFFFF, s13;
	s17 =	sxor.u32 @!p1 $0xFFFFFFFF, s13  }
0x28: {  	s18 =	sshll.u32 @!p1 s11, $0x9;
	s19 =	sshll.u32 @!p1 s10, $0x3;
	s20 =	sshll.u32 @!p1 s11, $0x7  }
0x29: {  	s21 =	sand.u32 @!p1 $0x78, s10;
	s18 =	sand.u32 @!p1 $0xFF000, s18;
	s19 =	sand.u32 @!p1 $0xFFC00, s19  }
0x2a: {  	s17 =	sshll.u32 @!p1 s17, $0xE;
	s18 =	sadd.s32 @!p1 s18, s19;
	s19 =	sand.u32 @!p1 $0x200, s20  }
0x2b: {  	s17 =	sand.u32 @!p1 $0x4000, s17;
	s18 =	sor.u32 @!p1 s19, s18;
	s19 =	sand.u32 @!p1 $0x180, s20  }
0x2c: {  	s20 =	sshll.u32 @!p1 s12, $0x11;
	s19 =	sor.u32 @!p1 s21, s19;
	s18 =	sshrl.u32 @!p1 s18, $0x3  }
0x2d: {  	s20 =	sadd.s32 @!p1 s3, s20;
	s21 =	sand.u32 @!p1 $0x7, s10;
	s19 =	sshrl.u32 @!p1 s19, $0x3  }
0x2e: {  	s18 =	sand.u32 @!p1 $0x1FFC0, s18;
	s19 =	sadd.s32 @!p1 s19, s20;
	s20 =	sshll.u32 @!p1 s21, $0x12  }
0x2f: {  	s18 =	sadd.s32 @!p1 s18, s19;
	s19 =	sor.u32 @!p1 $0x400, s20;
	s20 =	simm.s32 @!p1 $0x1000  }
0x30: {  	[tilespmem:s17], [sflag:$0x1] =	stream.strided.gather @!p1 [hbm4b:s18+s19], $0x4000, s20, s19, $0x38;
	[tilespmem:$0x10100] =	vst v63  }
0x31: {  	p1 =	sge.u32 s31, s7  }
.Ltmp2:
0x32: {  	_ = 	snop;
	(pc) =	sbr.rel @p1 .LBB1_5-.Ltmp2, $1  }
0x33: {  	_ =	sdelay $0x3  }
0x34: {  	s17 =	simm.s32 $0x1  }
0x35: {  	_ =	swait.ge [sflag:s6], $0x4000;
	s17 =	simm.s32 @!p0 $0x0  }
0x36: {  	[sflag:s6] =	ssyncset.done $0x0;
	s18 =	sshll.u32 s17, $0xE  }
0x37: {  	[sflag:s6] =	ssyncadd.s32 $0xFFFFC000;
	s19 =	sor.u32 $0x40, s18  }
0x38: {  	s17 =	smul.u32 $0x10200, s17;
	v0 =	vld [tilespmem:s19+$0x30]  }
0x39: {  	v3 =	vld [tilespmem:s19+$0xFFFFFFD0]  }
0x3a: {  	s17 =	sshrl.u32 s17, $0x2;
	v4 =	vld [tilespmem:s19+$0xFFFFFFE0]  }
0x3b: {  	v5 =	vld [tilespmem:s19+$0xFFFFFFF0];
	s18 =	sor.u32 $0x8000, s17  }
0x3c: {  	s31 =	sand.u32 $0x1, s13;
	v1 =	vld [tilespmem:s19+$0x0];
	s20 =	sadd.s32 $0x0, s18  }
0x3d: {  	v2 =	vld [tilespmem:s19+$0x10];
	s17 =	smul.u32 $0x10200, s31;
	[tilespmem:s20+$0x3870 ss:$0x81] =	vst.msk $0xffff, v0  }
0x3e: {  	[tilespmem:s20+$0x810 ss:$0x81] =	vst.msk $0xffff, v3;
	v3 =	vld [tilespmem:s19+$0x20]  }
0x3f: {  	s17 =	sshrl.u32 s17, $0x2;
	v0 =	vld [tilespmem:s19+$0xFFFFFFC0];
	[tilespmem:s20+$0x1020 ss:$0x81] =	vst.msk $0xffff, v4;
	s19 =	sadd.s32 $0x80, s19  }
0x40: {  	s21 =	simm.s32 $0x4;
	s22 =	simm.s32 $0x8;
	s17 =	sor.u32 $0x8000, s17;
	[tilespmem:s20+$0x1830 ss:$0x81] =	vst.msk $0xffff, v5;
	v4 =	vld [tilespmem:s19+$0x30]  }
.LBB1_3:
0x41: {  	p1 =	sne.s32 s22, $0x1FC;
	v5 =	vld [tilespmem:s19+$0xFFFFFFD0];
	[tilespmem:s20+$0x2040 ss:$0x81] =	vst.msk $0xffff, v1  }
0x42: {  	v6 =	vld [tilespmem:s19+$0xFFFFFFE0];
	[tilespmem:s20+$0x2850 ss:$0x81] =	vst.msk $0xffff, v2  }
0x43: {  	s23 =	sshra.s32 s21, $0x2;
	s21 =	smov.u32 s22;
	v7 =	vld [tilespmem:s19+$0xFFFFFFF0];
	[tilespmem:s20+$0x3060 ss:$0x81] =	vst.msk $0xffff, v3  }
.Ltmp3:
0x44: {  	v1 =	vld [tilespmem:s19+$0x0];
	[tilespmem:s20+$0x0 ss:$0x81] =	vst.msk $0xffff, v0;
	s20 =	sadd.s32 s23, s18;
	(pc) =	sbr.rel @p1 .LBB1_3-.Ltmp3, $4  }
0x45: {  	v2 =	vld [tilespmem:s19+$0x10];
	[tilespmem:s20+$0x3870 ss:$0x81] =	vst.msk $0xffff, v4  }
0x46: {  	[tilespmem:s20+$0x810 ss:$0x81] =	vst.msk $0xffff, v5;
	v3 =	vld [tilespmem:s19+$0x20]  }
0x47: {  	v0 =	vld [tilespmem:s19+$0xFFFFFFC0];
	[tilespmem:s20+$0x1020 ss:$0x81] =	vst.msk $0xffff, v6;
	s19 =	sadd.s32 $0x80, s19  }
0x48: {  	s22 =	sadd.s32 $0x4, s22;
	v4 =	vld [tilespmem:s19+$0x30];
	[tilespmem:s20+$0x1830 ss:$0x81] =	vst.msk $0xffff, v7  }
.Ltmp4:
0x49: {  	_ = 	snop;
	(pc) =	sbr.rel .LBB1_4-.Ltmp4, $1  }
0x4a: {  	_ =	sdelay $0x3  }
.LBB1_6:
0x4b: {  	_ =	sfence.sel $0x180000  }
0x4c: {  	s2 =	simm.s32 $0x1;
	[bflag:$0x0] =	sbarrier.arrive $0xFFFF  }
0x4d: {  	s31 =	simm.s32 $0x2;
	[sflag:s2] =	ssyncpa.u1 $0x1  }
0x4e: {  	[sflag:s31] =	ssyncpa.u1 $0x1  }
0x4f: {  	p0 =	sne.s32 s0, $0x0;
	_ =	strace $0x9000004A  }
0x50: {  	s0 =	sadd.s32 @!p0 $0x100000, s1;
	[bflag:$0x2] =	sbarrier.arrive $0xFFFF  }
0x51: {  	[sflag:s0] =	ssyncadd.tile.s32 @!p0 $0x1;
	_ =	shalt  }
.Lfunc_end1:
_tile_overlayer_lowered:
.L_overlay_start_2:
0x52: {  	(tag) =	ssettag $0x2  }
0x53: {  	s0 =	rddreg [dreg:$0x0];
	s2 =	stileid.u32  }
0x54: {  	s1 =	rddreg [dreg:$0x1];
	p0 =	sne.s32 s2, $0x0  }
0x55: {  	s3 =	rddreg [dreg:$0x2];
	[bflag:$0x3] =	sbarrier.arrive $0xFFFF;
	s2 =	simm.s32 @!p0 $0x1C01  }
0x56: {  	[timem:s3], [sflag:s2] =	dma.local @!p0 [hbm:s0], s1  }
0x57: {  	s0 =	simm.s32 @!p0 $0x1  }
0x58: {  	_ =	swait.ge @!p0 [sflag:s0], s1  }
0x59: {  	s1 =	ssub.s32 @!p0 $0x0, s1;
	[sflag:s0] =	ssyncset.done @!p0 $0x0  }
0x5a: {  	[sflag:s0] =	ssyncadd.s32 @!p0 s1  }
0x5b: {  	[bflag:$0x3] =	sbarrier.arrive $0xFFFF  }
0x5c: {  	_ =	shalt  }

</sc_bundles>
